<compile_context>
chip_gen: v7x
topology: tpu7x:2x2x1
jax: 0.10.2.dev20260603
libtpu: 0.0.44.dev20260713+nightly
codegen_flags: <defaults>
</compile_context>

<pallas_src>
import jax
import jax.numpy as jnp
from jax.experimental import pallas as pl
from jax.experimental.pallas import tpu as pltpu
from jax.experimental.pallas import tpu_sc as plsc

_S = 10000
_P = 2000
_K = 500
_D = 16
_B = 4096
_R = 2000
_NBLK = _S // _R
_WIN = 128
_GW = 128


def _prop_body(mb_ref, swt_ref, pwt_ref,
               meanst_ref, finalpt_ref,
               s1_sc, pcur_sc, acc_sc):
    l = pl.program_id(0)
    i = pl.program_id(1)

    s0t = swt_ref[0, :, :]

    @pl.when((l == 0) & (i == 0))
    def _():
        pcur_sc[...] = jnp.concatenate(
            [pwt_ref[...], jnp.zeros((_D, _P), jnp.float32)],
            axis=0).T.astype(jnp.bfloat16)

    m = mb_ref[...]

    g = jnp.dot(m, pcur_sc[...], preferred_element_type=jnp.float32)
    gt = g.T
    g1t = gt[:_D, :]
    g2t = gt[_D:, :]

    s1t = s1_sc[i, :, :].astype(jnp.float32)

    u_top = jnp.where(l == 0, s0t, s0t + s1t + g2t)
    u_bot = jnp.where(l == 0, g1t, jnp.zeros_like(g1t))
    u = jnp.concatenate([u_top, u_bot], axis=0).astype(jnp.bfloat16)

    pt = jnp.dot(u, m, preferred_element_type=jnp.float32)
    acc_sc[...] = jnp.where(i == 0, pt, acc_sc[...] + pt)

    s1_sc[i, :, :] = g1t.astype(jnp.bfloat16)
    meanst_ref[0, :, :] = (s0t + g1t) * 0.25

    @pl.when((i == _NBLK - 1) & (l == 0))
    def _():
        p1t = acc_sc[:_D, :]
        pzt = pwt_ref[...] + p1t + acc_sc[_D:, :]
        pcur_sc[...] = jnp.concatenate([pzt, p1t],
                                       axis=0).T.astype(jnp.bfloat16)

    @pl.when((i == _NBLK - 1) & (l == 1))
    def _():
        finalpt_ref[...] = (pwt_ref[...] + acc_sc[:_D, :]) * 0.25


def _propagate(m_bf16, student_w, problem_w):
    return pl.pallas_call(
        _prop_body,
        grid=(2, _NBLK),
        in_specs=[
            pl.BlockSpec((_R, _P), lambda l, i: (i, 0)),
            pl.BlockSpec((1, _D, _R), lambda l, i: (i, 0, 0)),
            pl.BlockSpec((_D, _P), lambda l, i: (0, 0)),
        ],
        out_specs=[
            pl.BlockSpec((1, _D, _R), lambda l, i: (i, 0, 0)),
            pl.BlockSpec((_D, _P), lambda l, i: (0, 0)),
        ],
        out_shape=[
            jax.ShapeDtypeStruct((_NBLK, _D, _R), jnp.float32),
            jax.ShapeDtypeStruct((_D, _P), jnp.float32),
        ],
        scratch_shapes=[
            pltpu.VMEM((_NBLK, _D, _R), jnp.bfloat16),
            pltpu.VMEM((_P, 2 * _D), jnp.bfloat16),
            pltpu.VMEM((2 * _D, _P), jnp.float32),
        ],
    )(m_bf16,
      student_w.T.reshape(_D, _NBLK, _R).transpose(1, 0, 2),
      problem_w.T)


def _tables_body(mt_ref, fpt_ref, q_ref, sk_ref, means_ref, finalp_ref):
    i = pl.program_id(0)
    means_ref[...] = jnp.concatenate(
        [mt_ref[0, :, :].T, jnp.zeros((_R, _GW - _D), jnp.float32)], axis=1)

    @pl.when(i == 0)
    def _():
        psk = jnp.dot(q_ref[...], sk_ref[...],
                      preferred_element_type=jnp.float32)
        finalp_ref[...] = jnp.concatenate(
            [fpt_ref[...].T + psk, jnp.zeros((_P, _GW - _D), jnp.float32)],
            axis=1)


def _build_tables(means_t, final_pt, q_matrix, skill_w):
    return pl.pallas_call(
        _tables_body,
        grid=(_NBLK,),
        in_specs=[
            pl.BlockSpec((1, _D, _R), lambda i: (i, 0, 0)),
            pl.BlockSpec((_D, _P), lambda i: (0, 0)),
            pl.BlockSpec((_P, _K), lambda i: (0, 0)),
            pl.BlockSpec((_K, _D), lambda i: (0, 0)),
        ],
        out_specs=[
            pl.BlockSpec((_R, _GW), lambda i: (i, 0)),
            pl.BlockSpec((_P, _GW), lambda i: (0, 0)),
        ],
        out_shape=[
            jax.ShapeDtypeStruct((_S, _GW), jnp.float32),
            jax.ShapeDtypeStruct((_P, _GW), jnp.float32),
        ],
    )(means_t, final_pt, q_matrix, skill_w)


def _gather(mean_s, final_p, sids, pids):
    mesh = plsc.VectorSubcoreMesh(core_axis_name="core",
                                  subcore_axis_name="subcore")

    @pl.kernel(
        out_type=(jax.ShapeDtypeStruct((_B, _GW), jnp.float32),
                  jax.ShapeDtypeStruct((_B, _GW), jnp.float32)),
        mesh=mesh)
    def gather_kernel(s_hbm, p_hbm, sid_hbm, pid_hbm, bs_hbm, bp_hbm):
        def body(sid_vmem, pid_vmem, bs_vmem, bp_vmem):
            pltpu.sync_copy(s_hbm.at[sid_vmem.at[0]], bs_vmem)
            pltpu.sync_copy(p_hbm.at[pid_vmem.at[0]], bp_vmem)

        pltpu.emit_pipeline(
            body,
            grid=(_B // _WIN,),
            in_specs=[pl.BlockSpec((1, _WIN), lambda i: (0, i)),
                      pl.BlockSpec((1, _WIN), lambda i: (0, i))],
            out_specs=[pl.BlockSpec((_WIN, _GW), lambda i: (i, 0)),
                       pl.BlockSpec((_WIN, _GW), lambda i: (i, 0))],
            core_axis_name=("core", "subcore"),
            dimension_semantics=(pltpu.PARALLEL,),
        )(sid_hbm, pid_hbm, bs_hbm, bp_hbm)

    return gather_kernel(mean_s, final_p, sids, pids)


def _pred_body(bs_ref, bp_ref, ws_ref, wp_ref, b_ref, o_ref):
    x = (jnp.dot(bs_ref[...], ws_ref[...], preferred_element_type=jnp.float32)
         + jnp.dot(bp_ref[...], wp_ref[...], preferred_element_type=jnp.float32)
         + b_ref[0, 0])
    o_ref[...] = jax.nn.sigmoid(x)


def _predict(bs, bp, ws, wp, b):
    return pl.pallas_call(
        _pred_body,
        out_shape=jax.ShapeDtypeStruct((_B, 1), jnp.float32),
    )(bs, bp, ws, wp, b)


def kernel(student_ids, problem_ids, a_matrix, ia_matrix, q_matrix,
           student_w, problem_w, skill_w, W, b):
    mb = (a_matrix + ia_matrix).astype(jnp.bfloat16)
    means_t, final_pt = _propagate(mb, student_w, problem_w)
    mean_s, final_p = _build_tables(means_t, final_pt, q_matrix, skill_w)
    sids = student_ids.astype(jnp.int32).reshape(1, _B)
    pids = problem_ids.astype(jnp.int32).reshape(1, _B)
    bs, bp = _gather(mean_s, final_p, sids, pids)
    ws = jnp.zeros((_GW, 1), jnp.float32).at[:_D, 0].set(W[0, :_D])
    wp = jnp.zeros((_GW, 1), jnp.float32).at[:_D, 0].set(W[0, _D:])
    pred = _predict(bs, bp, ws, wp, b.reshape(1, 1))
    return pred.reshape(_B)

# --- scband reference (transcript-rebuilt; emitter-appended) ---
"""Pipeline reference for scband-orcdf-77249281786067 (READ-ONLY COPY).

The authoritative reference and input builder live on the scoring server;
editing this copy changes nothing except your own understanding.
"""

import jax, jax.numpy as jnp
import numpy as np

NUM_STUDENTS = 10000
NUM_PROBLEMS = 2000
NUM_SKILLS = 500
EMBED_DIM = 16
NUM_LAYERS = 3
BATCH = 4096


def setup_inputs(seed: int = 0) -> dict:
    key = jax.random.key(seed)
    ks = jax.random.split(key, 10)
    student_ids = jax.random.randint(ks[0], (BATCH,), 0, NUM_STUDENTS, dtype=jnp.int64 if jax.config.jax_enable_x64 else jnp.int32)
    problem_ids = jax.random.randint(ks[1], (BATCH,), 0, NUM_PROBLEMS, dtype=jnp.int64 if jax.config.jax_enable_x64 else jnp.int32)
    a_matrix = jax.random.uniform(ks[2], (NUM_STUDENTS, NUM_PROBLEMS), dtype=jnp.float32)
    ia_matrix = jax.random.uniform(ks[3], (NUM_STUDENTS, NUM_PROBLEMS), dtype=jnp.float32)
    q_matrix = jax.random.uniform(ks[4], (NUM_PROBLEMS, NUM_SKILLS), dtype=jnp.float32)
    # learned parameters (xavier-uniform style init)
    def xavier(k, shape):
        fan_in, fan_out = shape[0], shape[1]
        lim = float(np.sqrt(6.0 / (fan_in + fan_out)))
        return jax.random.uniform(k, shape, minval=-lim, maxval=lim, dtype=jnp.float32)
    student_w = xavier(ks[5], (NUM_STUDENTS, EMBED_DIM))
    problem_w = xavier(ks[6], (NUM_PROBLEMS, EMBED_DIM))
    skill_w = xavier(ks[7], (NUM_SKILLS, EMBED_DIM))
    W = xavier(ks[8], (1, EMBED_DIM * 2))
    b = jnp.zeros((1,), dtype=jnp.float32)
    return {
        "student_ids": student_ids,
        "problem_ids": problem_ids,
        "a_matrix": a_matrix,
        "ia_matrix": ia_matrix,
        "q_matrix": q_matrix,
        "student_w": student_w,
        "problem_w": problem_w,
        "skill_w": skill_w,
        "W": W,
        "b": b,
    }


def reference(student_ids, problem_ids, a_matrix, ia_matrix, q_matrix,
              student_w, problem_w, skill_w, W, b):
    all_s = [student_w]
    all_p = [problem_w]
    cur_s = student_w
    cur_p = problem_w
    for _ in range(NUM_LAYERS):
        s_c = a_matrix @ cur_p
        p_c = a_matrix.T @ cur_s
        s_ic = ia_matrix @ cur_p
        p_ic = ia_matrix.T @ cur_s
        cur_s = s_c + s_ic
        cur_p = p_c + p_ic
        all_s.append(cur_s)
        all_p.append(cur_p)
    final_s = jnp.mean(jnp.stack(all_s, axis=0), axis=0)
    final_p = jnp.mean(jnp.stack(all_p, axis=0), axis=0)
    problem_skill = q_matrix @ skill_w
    final_p = final_p + problem_skill
    bs = jnp.take(final_s, student_ids, axis=0)
    bp = jnp.take(final_p, problem_ids, axis=0)
    inter = jnp.concatenate([bs, bp], axis=1)
    pred = inter @ W.T + b
    return jax.nn.sigmoid(pred).squeeze()

if __name__ == "__main__":
    import jax
    _d = setup_inputs()
    print(jax.jit(kernel)(*tuple(_d.values())))

</pallas_src>

<mosaic_0001>
#map = affine_map<(d0, d1) -> (0, 0)>
module attributes {stable_mosaic.version = 14 : i64} {
  func.func @gather_kernel(%arg0: i32, %arg1: i32, %arg2: memref<10000x128xf32, #tpu.memory_space<hbm>>, %arg3: memref<2000x128xf32, #tpu.memory_space<hbm>>, %arg4: memref<1x4096xi32, #tpu.memory_space<hbm>>, %arg5: memref<1x4096xi32, #tpu.memory_space<hbm>>, %arg6: memref<4096x128xf32, #tpu.memory_space<hbm>>, %arg7: memref<4096x128xf32, #tpu.memory_space<hbm>>) attributes {dimension_semantics = [#tpu.dimension_semantics<core_parallel>, #tpu.dimension_semantics<subcore_parallel>], iteration_bounds = array<i64: 2, 16>, scalar_prefetch = 0 : i64, scratch_operands = 0 : i64, tpu.core_type = #tpu.core_type<sc_vector_subcore>, window_params = [{transform_indices = #map}, {transform_indices = #map}, {transform_indices = #map}, {transform_indices = #map}, {transform_indices = #map}, {transform_indices = #map}]} {
    %mul3A = arith.constant 1 : i32
    %mul3A_0 = arith.muli %arg1, %mul3A : i32
    %add3A = arith.constant 0 : i32
    %add3A_1 = arith.addi %add3A, %mul3A_0 : i32
    %mul3A_2 = arith.constant 16 : i32
    %mul3A_3 = arith.muli %arg0, %mul3A_2 : i32
    %add3A_4 = arith.addi %add3A_1, %mul3A_3 : i32
    %mul3A_5 = arith.constant 1 : i32
    %mul3A_6 = arith.muli %add3A_4, %mul3A_5 : i32
    "tpu.region"() ({
      %run_scoped3A = memref.alloca() : memref<2x1x128xi32, #tpu.memory_space<vmem>>
      %run_scoped3A_7 = tpu.sem_alloc : memref<2x!tpu.dma_semaphore, #tpu.memory_space<semaphore_mem>>
      %run_scoped3A_8 = memref.alloca() : memref<2x1x128xi32, #tpu.memory_space<vmem>>
      %run_scoped3A_9 = tpu.sem_alloc : memref<2x!tpu.dma_semaphore, #tpu.memory_space<semaphore_mem>>
      %run_scoped3A_10 = memref.alloca() : memref<2x128x128xf32, #tpu.memory_space<vmem>>
      %run_scoped3A_11 = tpu.sem_alloc : memref<2x!tpu.dma_semaphore, #tpu.memory_space<semaphore_mem>>
      %run_scoped3A_12 = memref.alloca() : memref<2x128x128xf32, #tpu.memory_space<vmem>>
      %run_scoped3A_13 = tpu.sem_alloc : memref<2x!tpu.dma_semaphore, #tpu.memory_space<semaphore_mem>>
      %add3A_14 = arith.constant 0 : i32
      %add3A_15 = arith.addi %add3A_14, %mul3A_6 : i32
      %select_n3A = arith.constant true
      %select_n3A_16 = arith.constant 0 : i32
      %select_n3A_17 = arith.constant -1 : i32
      %select_n3A_18 = arith.select %select_n3A, %select_n3A_17, %select_n3A_16 : i32
      %eq3A = arith.constant -1 : i32
      %eq3A_19 = arith.cmpi eq, %select_n3A_18, %eq3A : i32
      %select_n3A_20 = arith.constant 0 : i32
      %select_n3A_21 = arith.select %eq3A_19, %select_n3A_20, %select_n3A_18 : i32
      %add3A_22 = arith.constant 0 : i32
      %add3A_23 = arith.addi %add3A_22, %mul3A_6 : i32
      %select_n3A_24 = arith.constant true
      %select_n3A_25 = arith.constant 0 : i32
      %select_n3A_26 = arith.constant 1 : i32
      %select_n3A_27 = arith.select %select_n3A_24, %select_n3A_26, %select_n3A_25 : i32
      %eq3A_28 = arith.constant 1 : i32
      %eq3A_29 = arith.cmpi eq, %select_n3A_27, %eq3A_28 : i32
      %select_n3A_30 = arith.constant 0 : i32
      %select_n3A_31 = arith.select %eq3A_29, %select_n3A_30, %select_n3A_27 : i32
      %add3A_32 = arith.constant 0 : i32
      %add3A_33 = arith.addi %add3A_32, %mul3A_6 : i32
      %select_n3A_34 = arith.constant true
      %select_n3A_35 = arith.constant 0 : i32
      %select_n3A_36 = arith.constant 1 : i32
      %select_n3A_37 = arith.select %select_n3A_34, %select_n3A_36, %select_n3A_35 : i32
      %eq3A_38 = arith.constant 1 : i32
      %eq3A_39 = arith.cmpi eq, %select_n3A_37, %eq3A_38 : i32
      %select_n3A_40 = arith.constant 0 : i32
      %select_n3A_41 = arith.select %eq3A_39, %select_n3A_40, %select_n3A_37 : i32
      %add3A_42 = arith.constant 0 : i32
      %add3A_43 = arith.addi %add3A_42, %mul3A_6 : i32
      "tpu.trace_start"() <{level = 10 : i32, message = "ep_initialize_0"}> : () -> ()
      %rem3A = arith.constant 0 : i32
      %rem3A_44 = arith.constant 2 : i32
      %rem3A_45 = arith.remui %rem3A, %rem3A_44 : i32
      %mul3A_46 = arith.constant 128 : i32
      %mul3A_47 = arith.muli %mul3A_46, %add3A_15 : i32
      %dma_start3A = arith.constant 0 : i32
      %dma_start3A_48 = arith.constant 0 : i32
      %dma_start3A_49 = tpu.memref_slice %run_scoped3A[%rem3A_45, %dma_start3A, %dma_start3A_48] : memref<2x1x128xi32, #tpu.memory_space<vmem>> -> memref<1x1x128xi32, #tpu.memory_space<vmem>>
      %dma_start3A_50 = tpu.memref_squeeze %dma_start3A_49 : memref<1x1x128xi32, #tpu.memory_space<vmem>> -> memref<1x128xi32, #tpu.memory_space<vmem>>
      %dma_start3A_51 = arith.constant 0 : i32
      %dma_start3A_52 = tpu.memref_slice %arg4[%dma_start3A_51, %mul3A_47] : memref<1x4096xi32, #tpu.memory_space<hbm>> -> memref<1x128xi32, #tpu.memory_space<hbm>>
      %dma_start3A_53 = tpu.memref_slice %run_scoped3A_7[%rem3A_45] : memref<2x!tpu.dma_semaphore, #tpu.memory_space<semaphore_mem>> -> memref<1x!tpu.dma_semaphore, #tpu.memory_space<semaphore_mem>>
      %dma_start3A_54 = tpu.memref_squeeze %dma_start3A_53 : memref<1x!tpu.dma_semaphore, #tpu.memory_space<semaphore_mem>> -> memref<!tpu.dma_semaphore, #tpu.memory_space<semaphore_mem>>
      %dma_start3A_55 = arith.constant 0 : i32
      %dma_start3A_56 = arith.constant 0 : i32
      %dma_start3A_57 = tpu.memref_slice %run_scoped3A[%rem3A_45, %dma_start3A_55, %dma_start3A_56] : memref<2x1x128xi32, #tpu.memory_space<vmem>> -> memref<1x1x128xi32, #tpu.memory_space<vmem>>
      %dma_start3A_58 = tpu.memref_squeeze %dma_start3A_57 : memref<1x1x128xi32, #tpu.memory_space<vmem>> -> memref<1x128xi32, #tpu.memory_space<vmem>>
      %dma_start3A_59 = arith.constant 0 : i32
      %dma_start3A_60 = tpu.memref_slice %arg4[%dma_start3A_59, %mul3A_47] : memref<1x4096xi32, #tpu.memory_space<hbm>> -> memref<1x128xi32, #tpu.memory_space<hbm>>
      tpu.enqueue_dma source(%dma_start3A_60 : memref<1x128xi32, #tpu.memory_space<hbm>>) target(%dma_start3A_58 : memref<1x128xi32, #tpu.memory_space<vmem>>) target_semaphore(%dma_start3A_54 : memref<!tpu.dma_semaphore, #tpu.memory_space<semaphore_mem>>)
      %add3A_61 = arith.constant 0 : i32
      %add3A_62 = arith.constant 1 : i32
      %add3A_63 = arith.addi %add3A_61, %add3A_62 : i32
      %select_n3A_64 = arith.constant true
      %select_n3A_65 = arith.constant 0 : i32
      %select_n3A_66 = arith.select %select_n3A_64, %add3A_63, %select_n3A_65 : i32
      %rem3A_67 = arith.constant 0 : i32
      %rem3A_68 = arith.constant 2 : i32
      %rem3A_69 = arith.remui %rem3A_67, %rem3A_68 : i32
      %mul3A_70 = arith.constant 128 : i32
      %mul3A_71 = arith.muli %mul3A_70, %add3A_15 : i32
      %dma_start3A_72 = arith.constant 0 : i32
      %dma_start3A_73 = arith.constant 0 : i32
      %dma_start3A_74 = tpu.memref_slice %run_scoped3A_8[%rem3A_69, %dma_start3A_72, %dma_start3A_73] : memref<2x1x128xi32, #tpu.memory_space<vmem>> -> memref<1x1x128xi32, #tpu.memory_space<vmem>>
      %dma_start3A_75 = tpu.memref_squeeze %dma_start3A_74 : memref<1x1x128xi32, #tpu.memory_space<vmem>> -> memref<1x128xi32, #tpu.memory_space<vmem>>
      %dma_start3A_76 = arith.constant 0 : i32
      %dma_start3A_77 = tpu.memref_slice %arg5[%dma_start3A_76, %mul3A_71] : memref<1x4096xi32, #tpu.memory_space<hbm>> -> memref<1x128xi32, #tpu.memory_space<hbm>>
      %dma_start3A_78 = tpu.memref_slice %run_scoped3A_9[%rem3A_69] : memref<2x!tpu.dma_semaphore, #tpu.memory_space<semaphore_mem>> -> memref<1x!tpu.dma_semaphore, #tpu.memory_space<semaphore_mem>>
      %dma_start3A_79 = tpu.memref_squeeze %dma_start3A_78 : memref<1x!tpu.dma_semaphore, #tpu.memory_space<semaphore_mem>> -> memref<!tpu.dma_semaphore, #tpu.memory_space<semaphore_mem>>
      %dma_start3A_80 = arith.constant 0 : i32
      %dma_start3A_81 = arith.constant 0 : i32
      %dma_start3A_82 = tpu.memref_slice %run_scoped3A_8[%rem3A_69, %dma_start3A_80, %dma_start3A_81] : memref<2x1x128xi32, #tpu.memory_space<vmem>> -> memref<1x1x128xi32, #tpu.memory_space<vmem>>
      %dma_start3A_83 = tpu.memref_squeeze %dma_start3A_82 : memref<1x1x128xi32, #tpu.memory_space<vmem>> -> memref<1x128xi32, #tpu.memory_space<vmem>>
      %dma_start3A_84 = arith.constant 0 : i32
      %dma_start3A_85 = tpu.memref_slice %arg5[%dma_start3A_84, %mul3A_71] : memref<1x4096xi32, #tpu.memory_space<hbm>> -> memref<1x128xi32, #tpu.memory_space<hbm>>
      tpu.enqueue_dma source(%dma_start3A_85 : memref<1x128xi32, #tpu.memory_space<hbm>>) target(%dma_start3A_83 : memref<1x128xi32, #tpu.memory_space<vmem>>) target_semaphore(%dma_start3A_79 : memref<!tpu.dma_semaphore, #tpu.memory_space<semaphore_mem>>)
      %add3A_86 = arith.constant 0 : i32
      %add3A_87 = arith.constant 1 : i32
      %add3A_88 = arith.addi %add3A_86, %add3A_87 : i32
      %select_n3A_89 = arith.constant true
      %select_n3A_90 = arith.constant 0 : i32
      %select_n3A_91 = arith.select %select_n3A_89, %add3A_88, %select_n3A_90 : i32
      "tpu.trace_stop"() : () -> ()
      %scan3A = arith.constant 0 : i32
      %scan3A_92 = arith.constant 0 : i32
      %scan3A_93 = arith.constant 0 : i32
      %scan3A_94 = arith.constant 0 : i32
      %scan3A_95 = arith.constant 0 : i32
      %scan3A_96 = arith.constant 0 : i32
      %scan3A_97 = arith.constant 0 : i32
      %scan3A_98 = arith.constant 0 : i32
      %eq3A_99 = arith.constant 0 : i32
      %eq3A_100 = arith.cmpi eq, %scan3A_98, %eq3A_99 : i32
      %eq3A_101 = arith.constant 0 : i32
      %eq3A_102 = arith.cmpi eq, %scan3A_98, %eq3A_101 : i32
      %add3A_103 = arith.constant 0 : i32
      %add3A_104 = arith.addi %add3A_103, %mul3A_6 : i32
      %select_n3A_105 = arith.constant true
      %select_n3A_106 = arith.constant 0 : i32
      %select_n3A_107 = arith.constant -1 : i32
      %select_n3A_108 = arith.select %select_n3A_105, %select_n3A_107, %select_n3A_106 : i32
      %eq3A_109 = arith.constant -1 : i32
      %eq3A_110 = arith.cmpi eq, %select_n3A_108, %eq3A_109 : i32
      %select_n3A_111 = arith.constant 0 : i32
      %select_n3A_112 = arith.select %eq3A_110, %select_n3A_111, %select_n3A_108 : i32
      %add3A_113 = arith.constant 0 : i32
      %add3A_114 = arith.addi %add3A_113, %mul3A_6 : i32
      %select_n3A_115 = arith.constant true
      %select_n3A_116 = arith.constant 0 : i32
      %select_n3A_117 = arith.constant 1 : i32
      %select_n3A_118 = arith.select %select_n3A_115, %select_n3A_117, %select_n3A_116 : i32
      %eq3A_119 = arith.constant 1 : i32
      %eq3A_120 = arith.cmpi eq, %select_n3A_118, %eq3A_119 : i32
      %select_n3A_121 = arith.constant 0 : i32
      %select_n3A_122 = arith.select %eq3A_120, %select_n3A_121, %select_n3A_118 : i32
      %add3A_123 = arith.constant 0 : i32
      %add3A_124 = arith.addi %add3A_123, %mul3A_6 : i32
      %select_n3A_125 = arith.constant true
      %select_n3A_126 = arith.constant 0 : i32
      %select_n3A_127 = arith.constant 1 : i32
      %select_n3A_128 = arith.select %select_n3A_125, %select_n3A_127, %select_n3A_126 : i32
      %eq3A_129 = arith.constant 1 : i32
      %eq3A_130 = arith.cmpi eq, %select_n3A_128, %eq3A_129 : i32
      %select_n3A_131 = arith.constant 0 : i32
      %select_n3A_132 = arith.select %eq3A_130, %select_n3A_131, %select_n3A_128 : i32
      %add3A_133 = arith.constant 0 : i32
      %add3A_134 = arith.addi %add3A_133, %mul3A_6 : i32
      %ne3A = arith.cmpi ne, %add3A_104, %add3A_124 : i32
      %or3A = arith.constant false
      %or3A_135 = arith.ori %or3A, %ne3A : i1
      %ge3A = arith.constant 0 : i32
      %ge3A_136 = arith.cmpi sge, %scan3A_98, %ge3A : i32
      %not3A = arith.constant true
      %not3A_137 = arith.xori %ge3A_136, %not3A : i1
      %and3A = arith.andi %or3A_135, %not3A_137 : i1
      %convert_element_type3A = arith.extui %and3A : i1 to i32
      %cond3A = arith.constant 0 : i32
      %cond3A_138 = arith.cmpi ne, %convert_element_type3A, %cond3A : i32
      scf.if %cond3A_138 {
        "tpu.trace_start"() <{level = 10 : i32, message = "ep_copy_in"}> : () -> ()
        %rem3A_420 = arith.constant 2 : i32
        %rem3A_421 = arith.remui %select_n3A_66, %rem3A_420 : i32
        %mul3A_422 = arith.constant 128 : i32
        %mul3A_423 = arith.muli %mul3A_422, %add3A_124 : i32
        %dma_start3A_424 = arith.constant 0 : i32
        %dma_start3A_425 = arith.constant 0 : i32
        %dma_start3A_426 = tpu.memref_slice %run_scoped3A[%rem3A_421, %dma_start3A_424, %dma_start3A_425] : memref<2x1x128xi32, #tpu.memory_space<vmem>> -> memref<1x1x128xi32, #tpu.memory_space<vmem>>
        %dma_start3A_427 = tpu.memref_squeeze %dma_start3A_426 : memref<1x1x128xi32, #tpu.memory_space<vmem>> -> memref<1x128xi32, #tpu.memory_space<vmem>>
        %dma_start3A_428 = arith.constant 0 : i32
        %dma_start3A_429 = tpu.memref_slice %arg4[%dma_start3A_428, %mul3A_423] : memref<1x4096xi32, #tpu.memory_space<hbm>> -> memref<1x128xi32, #tpu.memory_space<hbm>>
        %dma_start3A_430 = tpu.memref_slice %run_scoped3A_7[%rem3A_421] : memref<2x!tpu.dma_semaphore, #tpu.memory_space<semaphore_mem>> -> memref<1x!tpu.dma_semaphore, #tpu.memory_space<semaphore_mem>>
        %dma_start3A_431 = tpu.memref_squeeze %dma_start3A_430 : memref<1x!tpu.dma_semaphore, #tpu.memory_space<semaphore_mem>> -> memref<!tpu.dma_semaphore, #tpu.memory_space<semaphore_mem>>
        %dma_start3A_432 = arith.constant 0 : i32
        %dma_start3A_433 = arith.constant 0 : i32
        %dma_start3A_434 = tpu.memref_slice %run_scoped3A[%rem3A_421, %dma_start3A_432, %dma_start3A_433] : memref<2x1x128xi32, #tpu.memory_space<vmem>> -> memref<1x1x128xi32, #tpu.memory_space<vmem>>
        %dma_start3A_435 = tpu.memref_squeeze %dma_start3A_434 : memref<1x1x128xi32, #tpu.memory_space<vmem>> -> memref<1x128xi32, #tpu.memory_space<vmem>>
        %dma_start3A_436 = arith.constant 0 : i32
        %dma_start3A_437 = tpu.memref_slice %arg4[%dma_start3A_436, %mul3A_423] : memref<1x4096xi32, #tpu.memory_space<hbm>> -> memref<1x128xi32, #tpu.memory_space<hbm>>
        tpu.enqueue_dma source(%dma_start3A_437 : memref<1x128xi32, #tpu.memory_space<hbm>>) target(%dma_start3A_435 : memref<1x128xi32, #tpu.memory_space<vmem>>) target_semaphore(%dma_start3A_431 : memref<!tpu.dma_semaphore, #tpu.memory_space<semaphore_mem>>)
        "tpu.trace_stop"() : () -> ()
      } else {
      }
      %and3A_139 = arith.constant true
      %and3A_140 = arith.andi %and3A, %and3A_139 : i1
      %add3A_141 = arith.constant 1 : i32
      %add3A_142 = arith.addi %select_n3A_66, %add3A_141 : i32
      %select_n3A_143 = arith.select %and3A_140, %add3A_142, %select_n3A_66 : i32
      %ne3A_144 = arith.cmpi ne, %add3A_104, %add3A_124 : i32
      %or3A_145 = arith.constant false
      %or3A_146 = arith.ori %or3A_145, %ne3A_144 : i1
      %ge3A_147 = arith.constant 0 : i32
      %ge3A_148 = arith.cmpi sge, %scan3A_98, %ge3A_147 : i32
      %not3A_149 = arith.constant true
      %not3A_150 = arith.xori %ge3A_148, %not3A_149 : i1
      %and3A_151 = arith.andi %or3A_146, %not3A_150 : i1
      %convert_element_type3A_152 = arith.extui %and3A_151 : i1 to i32
      %cond3A_153 = arith.constant 0 : i32
      %cond3A_154 = arith.cmpi ne, %convert_element_type3A_152, %cond3A_153 : i32
      scf.if %cond3A_154 {
        "tpu.trace_start"() <{level = 10 : i32, message = "ep_copy_in"}> : () -> ()
        %rem3A_420 = arith.constant 2 : i32
        %rem3A_421 = arith.remui %select_n3A_91, %rem3A_420 : i32
        %mul3A_422 = arith.constant 128 : i32
        %mul3A_423 = arith.muli %mul3A_422, %add3A_124 : i32
        %dma_start3A_424 = arith.constant 0 : i32
        %dma_start3A_425 = arith.constant 0 : i32
        %dma_start3A_426 = tpu.memref_slice %run_scoped3A_8[%rem3A_421, %dma_start3A_424, %dma_start3A_425] : memref<2x1x128xi32, #tpu.memory_space<vmem>> -> memref<1x1x128xi32, #tpu.memory_space<vmem>>
        %dma_start3A_427 = tpu.memref_squeeze %dma_start3A_426 : memref<1x1x128xi32, #tpu.memory_space<vmem>> -> memref<1x128xi32, #tpu.memory_space<vmem>>
        %dma_start3A_428 = arith.constant 0 : i32
        %dma_start3A_429 = tpu.memref_slice %arg5[%dma_start3A_428, %mul3A_423] : memref<1x4096xi32, #tpu.memory_space<hbm>> -> memref<1x128xi32, #tpu.memory_space<hbm>>
        %dma_start3A_430 = tpu.memref_slice %run_scoped3A_9[%rem3A_421] : memref<2x!tpu.dma_semaphore, #tpu.memory_space<semaphore_mem>> -> memref<1x!tpu.dma_semaphore, #tpu.memory_space<semaphore_mem>>
        %dma_start3A_431 = tpu.memref_squeeze %dma_start3A_430 : memref<1x!tpu.dma_semaphore, #tpu.memory_space<semaphore_mem>> -> memref<!tpu.dma_semaphore, #tpu.memory_space<semaphore_mem>>
        %dma_start3A_432 = arith.constant 0 : i32
        %dma_start3A_433 = arith.constant 0 : i32
        %dma_start3A_434 = tpu.memref_slice %run_scoped3A_8[%rem3A_421, %dma_start3A_432, %dma_start3A_433] : memref<2x1x128xi32, #tpu.memory_space<vmem>> -> memref<1x1x128xi32, #tpu.memory_space<vmem>>
        %dma_start3A_435 = tpu.memref_squeeze %dma_start3A_434 : memref<1x1x128xi32, #tpu.memory_space<vmem>> -> memref<1x128xi32, #tpu.memory_space<vmem>>
        %dma_start3A_436 = arith.constant 0 : i32
        %dma_start3A_437 = tpu.memref_slice %arg5[%dma_start3A_436, %mul3A_423] : memref<1x4096xi32, #tpu.memory_space<hbm>> -> memref<1x128xi32, #tpu.memory_space<hbm>>
        tpu.enqueue_dma source(%dma_start3A_437 : memref<1x128xi32, #tpu.memory_space<hbm>>) target(%dma_start3A_435 : memref<1x128xi32, #tpu.memory_space<vmem>>) target_semaphore(%dma_start3A_431 : memref<!tpu.dma_semaphore, #tpu.memory_space<semaphore_mem>>)
        "tpu.trace_stop"() : () -> ()
      } else {
      }
      %and3A_155 = arith.constant true
      %and3A_156 = arith.andi %and3A_151, %and3A_155 : i1
      %add3A_157 = arith.constant 1 : i32
      %add3A_158 = arith.addi %select_n3A_91, %add3A_157 : i32
      %select_n3A_159 = arith.select %and3A_156, %add3A_158, %select_n3A_91 : i32
      %ne3A_160 = arith.cmpi ne, %add3A_104, %add3A_124 : i32
      %or3A_161 = arith.constant false
      %or3A_162 = arith.ori %or3A_161, %ne3A_160 : i1
      %or3A_163 = arith.constant false
      %or3A_164 = arith.ori %or3A_162, %or3A_163 : i1
      %ge3A_165 = arith.constant 0 : i32
      %ge3A_166 = arith.cmpi sge, %scan3A_98, %ge3A_165 : i32
      %not3A_167 = arith.constant true
      %not3A_168 = arith.xori %ge3A_166, %not3A_167 : i1
      %and3A_169 = arith.andi %or3A_164, %not3A_168 : i1
      %ne3A_170 = arith.cmpi ne, %add3A_104, %add3A_124 : i32
      %or3A_171 = arith.constant false
      %or3A_172 = arith.ori %or3A_171, %ne3A_170 : i1
      %or3A_173 = arith.constant false
      %or3A_174 = arith.ori %or3A_172, %or3A_173 : i1
      %ge3A_175 = arith.constant 0 : i32
      %ge3A_176 = arith.cmpi sge, %scan3A_98, %ge3A_175 : i32
      %not3A_177 = arith.constant true
      %not3A_178 = arith.xori %ge3A_176, %not3A_177 : i1
      %and3A_179 = arith.andi %or3A_174, %not3A_178 : i1
      %ne3A_180 = arith.cmpi ne, %add3A_104, %add3A_114 : i32
      %or3A_181 = arith.constant false
      %or3A_182 = arith.ori %or3A_181, %ne3A_180 : i1
      %or3A_183 = arith.ori %or3A_182, %eq3A_100 : i1
      %convert_element_type3A_184 = arith.extui %or3A_183 : i1 to i32
      %cond3A_185 = arith.constant 0 : i32
      %cond3A_186 = arith.cmpi ne, %convert_element_type3A_184, %cond3A_185 : i32
      scf.if %cond3A_186 {
        "tpu.trace_start"() <{level = 10 : i32, message = "ep_wait_in"}> : () -> ()
        %mul3A_420 = arith.constant 128 : i32
        %mul3A_421 = arith.muli %mul3A_420, %add3A_104 : i32
        %rem3A_422 = arith.constant 2 : i32
        %rem3A_423 = arith.remui %scan3A, %rem3A_422 : i32
        %dma_wait3A_424 = arith.constant 0 : i32
        %dma_wait3A_425 = arith.constant 0 : i32
        %dma_wait3A_426 = tpu.memref_slice %run_scoped3A[%rem3A_423, %dma_wait3A_424, %dma_wait3A_425] : memref<2x1x128xi32, #tpu.memory_space<vmem>> -> memref<1x1x128xi32, #tpu.memory_space<vmem>>
        %dma_wait3A_427 = tpu.memref_squeeze %dma_wait3A_426 : memref<1x1x128xi32, #tpu.memory_space<vmem>> -> memref<1x128xi32, #tpu.memory_space<vmem>>
        %dma_wait3A_428 = arith.constant 0 : i32
        %dma_wait3A_429 = tpu.memref_slice %arg4[%dma_wait3A_428, %mul3A_421] : memref<1x4096xi32, #tpu.memory_space<hbm>> -> memref<1x128xi32, #tpu.memory_space<hbm>>
        %dma_wait3A_430 = tpu.memref_slice %run_scoped3A_7[%rem3A_423] : memref<2x!tpu.dma_semaphore, #tpu.memory_space<semaphore_mem>> -> memref<1x!tpu.dma_semaphore, #tpu.memory_space<semaphore_mem>>
        %dma_wait3A_431 = tpu.memref_squeeze %dma_wait3A_430 : memref<1x!tpu.dma_semaphore, #tpu.memory_space<semaphore_mem>> -> memref<!tpu.dma_semaphore, #tpu.memory_space<semaphore_mem>>
        %dma_wait3A_432 = arith.constant 0 : i32
        %dma_wait3A_433 = arith.constant 0 : i32
        %dma_wait3A_434 = tpu.memref_slice %run_scoped3A[%rem3A_423, %dma_wait3A_432, %dma_wait3A_433] : memref<2x1x128xi32, #tpu.memory_space<vmem>> -> memref<1x1x128xi32, #tpu.memory_space<vmem>>
        %dma_wait3A_435 = tpu.memref_squeeze %dma_wait3A_434 : memref<1x1x128xi32, #tpu.memory_space<vmem>> -> memref<1x128xi32, #tpu.memory_space<vmem>>
        %dma_wait3A_436 = arith.constant 0 : i32
        %dma_wait3A_437 = tpu.memref_slice %arg4[%dma_wait3A_436, %mul3A_421] : memref<1x4096xi32, #tpu.memory_space<hbm>> -> memref<1x128xi32, #tpu.memory_space<hbm>>
        tpu.wait_dma2 semaphore(%dma_wait3A_431 : memref<!tpu.dma_semaphore, #tpu.memory_space<semaphore_mem>>) src(%dma_wait3A_437 : memref<1x128xi32, #tpu.memory_space<hbm>>) dst(%dma_wait3A_435 : memref<1x128xi32, #tpu.memory_space<vmem>>)
        "tpu.trace_stop"() : () -> ()
      } else {
      }
      %ne3A_187 = arith.cmpi ne, %add3A_104, %add3A_114 : i32
      %or3A_188 = arith.constant false
      %or3A_189 = arith.ori %or3A_188, %ne3A_187 : i1
      %or3A_190 = arith.ori %or3A_189, %eq3A_100 : i1
      %convert_element_type3A_191 = arith.extui %or3A_190 : i1 to i32
      %cond3A_192 = arith.constant 0 : i32
      %cond3A_193 = arith.cmpi ne, %convert_element_type3A_191, %cond3A_192 : i32
      scf.if %cond3A_193 {
        "tpu.trace_start"() <{level = 10 : i32, message = "ep_wait_in"}> : () -> ()
        %mul3A_420 = arith.constant 128 : i32
        %mul3A_421 = arith.muli %mul3A_420, %add3A_104 : i32
        %rem3A_422 = arith.constant 2 : i32
        %rem3A_423 = arith.remui %scan3A_92, %rem3A_422 : i32
        %dma_wait3A_424 = arith.constant 0 : i32
        %dma_wait3A_425 = arith.constant 0 : i32
        %dma_wait3A_426 = tpu.memref_slice %run_scoped3A_8[%rem3A_423, %dma_wait3A_424, %dma_wait3A_425] : memref<2x1x128xi32, #tpu.memory_space<vmem>> -> memref<1x1x128xi32, #tpu.memory_space<vmem>>
        %dma_wait3A_427 = tpu.memref_squeeze %dma_wait3A_426 : memref<1x1x128xi32, #tpu.memory_space<vmem>> -> memref<1x128xi32, #tpu.memory_space<vmem>>
        %dma_wait3A_428 = arith.constant 0 : i32
        %dma_wait3A_429 = tpu.memref_slice %arg5[%dma_wait3A_428, %mul3A_421] : memref<1x4096xi32, #tpu.memory_space<hbm>> -> memref<1x128xi32, #tpu.memory_space<hbm>>
        %dma_wait3A_430 = tpu.memref_slice %run_scoped3A_9[%rem3A_423] : memref<2x!tpu.dma_semaphore, #tpu.memory_space<semaphore_mem>> -> memref<1x!tpu.dma_semaphore, #tpu.memory_space<semaphore_mem>>
        %dma_wait3A_431 = tpu.memref_squeeze %dma_wait3A_430 : memref<1x!tpu.dma_semaphore, #tpu.memory_space<semaphore_mem>> -> memref<!tpu.dma_semaphore, #tpu.memory_space<semaphore_mem>>
        %dma_wait3A_432 = arith.constant 0 : i32
        %dma_wait3A_433 = arith.constant 0 : i32
        %dma_wait3A_434 = tpu.memref_slice %run_scoped3A_8[%rem3A_423, %dma_wait3A_432, %dma_wait3A_433] : memref<2x1x128xi32, #tpu.memory_space<vmem>> -> memref<1x1x128xi32, #tpu.memory_space<vmem>>
        %dma_wait3A_435 = tpu.memref_squeeze %dma_wait3A_434 : memref<1x1x128xi32, #tpu.memory_space<vmem>> -> memref<1x128xi32, #tpu.memory_space<vmem>>
        %dma_wait3A_436 = arith.constant 0 : i32
        %dma_wait3A_437 = tpu.memref_slice %arg5[%dma_wait3A_436, %mul3A_421] : memref<1x4096xi32, #tpu.memory_space<hbm>> -> memref<1x128xi32, #tpu.memory_space<hbm>>
        tpu.wait_dma2 semaphore(%dma_wait3A_431 : memref<!tpu.dma_semaphore, #tpu.memory_space<semaphore_mem>>) src(%dma_wait3A_437 : memref<1x128xi32, #tpu.memory_space<hbm>>) dst(%dma_wait3A_435 : memref<1x128xi32, #tpu.memory_space<vmem>>)
        "tpu.trace_stop"() : () -> ()
      } else {
      }
      %ne3A_194 = arith.cmpi ne, %add3A_104, %add3A_114 : i32
      %or3A_195 = arith.constant false
      %or3A_196 = arith.ori %or3A_195, %ne3A_194 : i1
      %or3A_197 = arith.constant false
      %or3A_198 = arith.ori %or3A_196, %or3A_197 : i1
      %or3A_199 = arith.ori %or3A_198, %eq3A_100 : i1
      %convert_element_type3A_200 = arith.extui %or3A_199 : i1 to i32
      %cond3A_201 = arith.constant 0 : i32
      %cond3A_202 = arith.cmpi ne, %convert_element_type3A_200, %cond3A_201 : i32
      scf.if %cond3A_202 {
      } else {
      }
      %ne3A_203 = arith.cmpi ne, %add3A_104, %add3A_114 : i32
      %or3A_204 = arith.constant false
      %or3A_205 = arith.ori %or3A_204, %ne3A_203 : i1
      %or3A_206 = arith.constant false
      %or3A_207 = arith.ori %or3A_205, %or3A_206 : i1
      %or3A_208 = arith.ori %or3A_207, %eq3A_100 : i1
      %convert_element_type3A_209 = arith.extui %or3A_208 : i1 to i32
      %cond3A_210 = arith.constant 0 : i32
      %cond3A_211 = arith.cmpi ne, %convert_element_type3A_209, %cond3A_210 : i32
      scf.if %cond3A_211 {
      } else {
      }
      %rem3A_212 = arith.constant 2 : i32
      %rem3A_213 = arith.remui %scan3A, %rem3A_212 : i32
      %rem3A_214 = arith.constant 2 : i32
      %rem3A_215 = arith.remui %scan3A_92, %rem3A_214 : i32
      %rem3A_216 = arith.constant 2 : i32
      %rem3A_217 = arith.remui %scan3A_93, %rem3A_216 : i32
      %rem3A_218 = arith.constant 2 : i32
      %rem3A_219 = arith.remui %scan3A_95, %rem3A_218 : i32
      %run_scoped3A_220 = arith.constant 0 : i32
      "tpu.trace_start"() <{level = 10 : i32, message = "ep_run_kernel"}> : () -> ()
      "tpu.region"() ({
        %run_scoped3A_420 = tpu.sem_alloc : memref<!tpu.dma_semaphore, #tpu.memory_space<semaphore_mem>>
        %dma_start3A_421 = arith.constant 0 : i32
        %dma_start3A_422 = arith.constant 0 : i32
        %dma_start3A_423 = tpu.memref_slice %run_scoped3A_10[%rem3A_217, %dma_start3A_421, %dma_start3A_422] : memref<2x128x128xf32, #tpu.memory_space<vmem>> -> memref<1x128x128xf32, #tpu.memory_space<vmem>>
        %dma_start3A_424 = tpu.memref_squeeze %dma_start3A_423 : memref<1x128x128xf32, #tpu.memory_space<vmem>> -> memref<128x128xf32, #tpu.memory_space<vmem>>
        %dma_start3A_425 = arith.constant 0 : i32
        %dma_start3A_426 = arith.constant 0 : i32
        %dma_start3A_427 = tpu.memref_slice %run_scoped3A[%rem3A_213, %dma_start3A_425, %dma_start3A_426] : memref<2x1x128xi32, #tpu.memory_space<vmem>> -> memref<1x1x128xi32, #tpu.memory_space<vmem>>
        %dma_start3A_428 = tpu.memref_squeeze %dma_start3A_427 : memref<1x1x128xi32, #tpu.memory_space<vmem>> -> memref<1x128xi32, #tpu.memory_space<vmem>>
        %dma_start3A_429 = arith.constant 0 : i32
        %dma_start3A_430 = tpu.memref_slice %dma_start3A_428[%run_scoped3A_220, %dma_start3A_429] : memref<1x128xi32, #tpu.memory_space<vmem>> -> memref<1x128xi32, #tpu.memory_space<vmem>>
        %dma_start3A_431 = tpu.memref_squeeze %dma_start3A_430 : memref<1x128xi32, #tpu.memory_space<vmem>> -> memref<128xi32, #tpu.memory_space<vmem>>
        %dma_start3A_432 = arith.constant 0 : i32
        %dma_start3A_433 = arith.constant 0 : i32
        %dma_start3A_434 = tpu.memref_slice %arg2[%dma_start3A_432, %dma_start3A_433] : memref<10000x128xf32, #tpu.memory_space<hbm>> -> memref<10000x128xf32, #tpu.memory_space<hbm>>
        tpu.enqueue_indirect_dma source(%dma_start3A_434 : memref<10000x128xf32, #tpu.memory_space<hbm>>) target(%dma_start3A_424 : memref<128x128xf32, #tpu.memory_space<vmem>>) offsets(%dma_start3A_431 : memref<128xi32, #tpu.memory_space<vmem>>) semaphore(%run_scoped3A_420 : memref<!tpu.dma_semaphore, #tpu.memory_space<semaphore_mem>>)
        %dma_wait3A_435 = arith.constant 0 : i32
        %dma_wait3A_436 = arith.constant 0 : i32
        %dma_wait3A_437 = tpu.memref_slice %run_scoped3A_10[%rem3A_217, %dma_wait3A_435, %dma_wait3A_436] : memref<2x128x128xf32, #tpu.memory_space<vmem>> -> memref<1x128x128xf32, #tpu.memory_space<vmem>>
        %dma_wait3A_438 = tpu.memref_squeeze %dma_wait3A_437 : memref<1x128x128xf32, #tpu.memory_space<vmem>> -> memref<128x128xf32, #tpu.memory_space<vmem>>
        %dma_wait3A_439 = arith.constant 0 : i32
        %dma_wait3A_440 = arith.constant 0 : i32
        %dma_wait3A_441 = tpu.memref_slice %run_scoped3A[%rem3A_213, %dma_wait3A_439, %dma_wait3A_440] : memref<2x1x128xi32, #tpu.memory_space<vmem>> -> memref<1x1x128xi32, #tpu.memory_space<vmem>>
        %dma_wait3A_442 = tpu.memref_squeeze %dma_wait3A_441 : memref<1x1x128xi32, #tpu.memory_space<vmem>> -> memref<1x128xi32, #tpu.memory_space<vmem>>
        %dma_wait3A_443 = arith.constant 0 : i32
        %dma_wait3A_444 = tpu.memref_slice %dma_wait3A_442[%run_scoped3A_220, %dma_wait3A_443] : memref<1x128xi32, #tpu.memory_space<vmem>> -> memref<1x128xi32, #tpu.memory_space<vmem>>
        %dma_wait3A_445 = tpu.memref_squeeze %dma_wait3A_444 : memref<1x128xi32, #tpu.memory_space<vmem>> -> memref<128xi32, #tpu.memory_space<vmem>>
        %dma_wait3A_446 = arith.constant 0 : i32
        %dma_wait3A_447 = arith.constant 0 : i32
        %dma_wait3A_448 = tpu.memref_slice %arg2[%dma_wait3A_446, %dma_wait3A_447] : memref<10000x128xf32, #tpu.memory_space<hbm>> -> memref<10000x128xf32, #tpu.memory_space<hbm>>
        tpu.wait_indirect_dma semaphore(%run_scoped3A_420 : memref<!tpu.dma_semaphore, #tpu.memory_space<semaphore_mem>>) src(%dma_wait3A_448 : memref<10000x128xf32, #tpu.memory_space<hbm>>) dst(%dma_wait3A_438 : memref<128x128xf32, #tpu.memory_space<vmem>>)
        tpu.yield
      }) : () -> ()
      %run_scoped3A_221 = arith.constant 0 : i32
      "tpu.region"() ({
        %run_scoped3A_420 = tpu.sem_alloc : memref<!tpu.dma_semaphore, #tpu.memory_space<semaphore_mem>>
        %dma_start3A_421 = arith.constant 0 : i32
        %dma_start3A_422 = arith.constant 0 : i32
        %dma_start3A_423 = tpu.memref_slice %run_scoped3A_12[%rem3A_219, %dma_start3A_421, %dma_start3A_422] : memref<2x128x128xf32, #tpu.memory_space<vmem>> -> memref<1x128x128xf32, #tpu.memory_space<vmem>>
        %dma_start3A_424 = tpu.memref_squeeze %dma_start3A_423 : memref<1x128x128xf32, #tpu.memory_space<vmem>> -> memref<128x128xf32, #tpu.memory_space<vmem>>
        %dma_start3A_425 = arith.constant 0 : i32
        %dma_start3A_426 = arith.constant 0 : i32
        %dma_start3A_427 = tpu.memref_slice %run_scoped3A_8[%rem3A_215, %dma_start3A_425, %dma_start3A_426] : memref<2x1x128xi32, #tpu.memory_space<vmem>> -> memref<1x1x128xi32, #tpu.memory_space<vmem>>
        %dma_start3A_428 = tpu.memref_squeeze %dma_start3A_427 : memref<1x1x128xi32, #tpu.memory_space<vmem>> -> memref<1x128xi32, #tpu.memory_space<vmem>>
        %dma_start3A_429 = arith.constant 0 : i32
        %dma_start3A_430 = tpu.memref_slice %dma_start3A_428[%run_scoped3A_221, %dma_start3A_429] : memref<1x128xi32, #tpu.memory_space<vmem>> -> memref<1x128xi32, #tpu.memory_space<vmem>>
        %dma_start3A_431 = tpu.memref_squeeze %dma_start3A_430 : memref<1x128xi32, #tpu.memory_space<vmem>> -> memref<128xi32, #tpu.memory_space<vmem>>
        %dma_start3A_432 = arith.constant 0 : i32
        %dma_start3A_433 = arith.constant 0 : i32
        %dma_start3A_434 = tpu.memref_slice %arg3[%dma_start3A_432, %dma_start3A_433] : memref<2000x128xf32, #tpu.memory_space<hbm>> -> memref<2000x128xf32, #tpu.memory_space<hbm>>
        tpu.enqueue_indirect_dma source(%dma_start3A_434 : memref<2000x128xf32, #tpu.memory_space<hbm>>) target(%dma_start3A_424 : memref<128x128xf32, #tpu.memory_space<vmem>>) offsets(%dma_start3A_431 : memref<128xi32, #tpu.memory_space<vmem>>) semaphore(%run_scoped3A_420 : memref<!tpu.dma_semaphore, #tpu.memory_space<semaphore_mem>>)
        %dma_wait3A_435 = arith.constant 0 : i32
        %dma_wait3A_436 = arith.constant 0 : i32
        %dma_wait3A_437 = tpu.memref_slice %run_scoped3A_12[%rem3A_219, %dma_wait3A_435, %dma_wait3A_436] : memref<2x128x128xf32, #tpu.memory_space<vmem>> -> memref<1x128x128xf32, #tpu.memory_space<vmem>>
        %dma_wait3A_438 = tpu.memref_squeeze %dma_wait3A_437 : memref<1x128x128xf32, #tpu.memory_space<vmem>> -> memref<128x128xf32, #tpu.memory_space<vmem>>
        %dma_wait3A_439 = arith.constant 0 : i32
        %dma_wait3A_440 = arith.constant 0 : i32
        %dma_wait3A_441 = tpu.memref_slice %run_scoped3A_8[%rem3A_215, %dma_wait3A_439, %dma_wait3A_440] : memref<2x1x128xi32, #tpu.memory_space<vmem>> -> memref<1x1x128xi32, #tpu.memory_space<vmem>>
        %dma_wait3A_442 = tpu.memref_squeeze %dma_wait3A_441 : memref<1x1x128xi32, #tpu.memory_space<vmem>> -> memref<1x128xi32, #tpu.memory_space<vmem>>
        %dma_wait3A_443 = arith.constant 0 : i32
        %dma_wait3A_444 = tpu.memref_slice %dma_wait3A_442[%run_scoped3A_221, %dma_wait3A_443] : memref<1x128xi32, #tpu.memory_space<vmem>> -> memref<1x128xi32, #tpu.memory_space<vmem>>
        %dma_wait3A_445 = tpu.memref_squeeze %dma_wait3A_444 : memref<1x128xi32, #tpu.memory_space<vmem>> -> memref<128xi32, #tpu.memory_space<vmem>>
        %dma_wait3A_446 = arith.constant 0 : i32
        %dma_wait3A_447 = arith.constant 0 : i32
        %dma_wait3A_448 = tpu.memref_slice %arg3[%dma_wait3A_446, %dma_wait3A_447] : memref<2000x128xf32, #tpu.memory_space<hbm>> -> memref<2000x128xf32, #tpu.memory_space<hbm>>
        tpu.wait_indirect_dma semaphore(%run_scoped3A_420 : memref<!tpu.dma_semaphore, #tpu.memory_space<semaphore_mem>>) src(%dma_wait3A_448 : memref<2000x128xf32, #tpu.memory_space<hbm>>) dst(%dma_wait3A_438 : memref<128x128xf32, #tpu.memory_space<vmem>>)
        tpu.yield
      }) : () -> ()
      "tpu.trace_stop"() : () -> ()
      %ne3A_222 = arith.cmpi ne, %add3A_104, %add3A_124 : i32
      %or3A_223 = arith.constant false
      %or3A_224 = arith.ori %or3A_223, %ne3A_222 : i1
      %or3A_225 = arith.ori %or3A_224, %eq3A_102 : i1
      %convert_element_type3A_226 = arith.extui %or3A_225 : i1 to i32
      %cond3A_227 = arith.constant 0 : i32
      %cond3A_228 = arith.cmpi ne, %convert_element_type3A_226, %cond3A_227 : i32
      scf.if %cond3A_228 {
      } else {
      }
      %and3A_229 = arith.constant false
      %and3A_230 = arith.andi %or3A_225, %and3A_229 : i1
      %ne3A_231 = arith.cmpi ne, %add3A_104, %add3A_124 : i32
      %or3A_232 = arith.constant false
      %or3A_233 = arith.ori %or3A_232, %ne3A_231 : i1
      %or3A_234 = arith.ori %or3A_233, %eq3A_102 : i1
      %convert_element_type3A_235 = arith.extui %or3A_234 : i1 to i32
      %cond3A_236 = arith.constant 0 : i32
      %cond3A_237 = arith.cmpi ne, %convert_element_type3A_235, %cond3A_236 : i32
      scf.if %cond3A_237 {
      } else {
      }
      %and3A_238 = arith.constant false
      %and3A_239 = arith.andi %or3A_234, %and3A_238 : i1
      %ne3A_240 = arith.cmpi ne, %add3A_104, %add3A_124 : i32
      %or3A_241 = arith.constant false
      %or3A_242 = arith.ori %or3A_241, %ne3A_240 : i1
      %or3A_243 = arith.constant false
      %or3A_244 = arith.ori %or3A_242, %or3A_243 : i1
      %or3A_245 = arith.ori %or3A_244, %eq3A_102 : i1
      %convert_element_type3A_246 = arith.extui %or3A_245 : i1 to i32
      %cond3A_247 = arith.constant 0 : i32
      %cond3A_248 = arith.cmpi ne, %convert_element_type3A_246, %cond3A_247 : i32
      scf.if %cond3A_248 {
        "tpu.trace_start"() <{level = 10 : i32, message = "ep_copy_out"}> : () -> ()
        %rem3A_420 = arith.constant 2 : i32
        %rem3A_421 = arith.remui %scan3A_93, %rem3A_420 : i32
        %mul3A_422 = arith.constant 128 : i32
        %mul3A_423 = arith.muli %mul3A_422, %add3A_104 : i32
        %dma_start3A_424 = arith.constant 0 : i32
        %dma_start3A_425 = arith.constant 0 : i32
        %dma_start3A_426 = tpu.memref_slice %run_scoped3A_10[%rem3A_421, %dma_start3A_424, %dma_start3A_425] : memref<2x128x128xf32, #tpu.memory_space<vmem>> -> memref<1x128x128xf32, #tpu.memory_space<vmem>>
        %dma_start3A_427 = tpu.memref_squeeze %dma_start3A_426 : memref<1x128x128xf32, #tpu.memory_space<vmem>> -> memref<128x128xf32, #tpu.memory_space<vmem>>
        %dma_start3A_428 = arith.constant 0 : i32
        %dma_start3A_429 = tpu.memref_slice %arg6[%mul3A_423, %dma_start3A_428] : memref<4096x128xf32, #tpu.memory_space<hbm>> -> memref<128x128xf32, #tpu.memory_space<hbm>>
        %dma_start3A_430 = tpu.memref_slice %run_scoped3A_11[%rem3A_421] : memref<2x!tpu.dma_semaphore, #tpu.memory_space<semaphore_mem>> -> memref<1x!tpu.dma_semaphore, #tpu.memory_space<semaphore_mem>>
        %dma_start3A_431 = tpu.memref_squeeze %dma_start3A_430 : memref<1x!tpu.dma_semaphore, #tpu.memory_space<semaphore_mem>> -> memref<!tpu.dma_semaphore, #tpu.memory_space<semaphore_mem>>
        %dma_start3A_432 = arith.constant 0 : i32
        %dma_start3A_433 = tpu.memref_slice %arg6[%mul3A_423, %dma_start3A_432] : memref<4096x128xf32, #tpu.memory_space<hbm>> -> memref<128x128xf32, #tpu.memory_space<hbm>>
        %dma_start3A_434 = arith.constant 0 : i32
        %dma_start3A_435 = arith.constant 0 : i32
        %dma_start3A_436 = tpu.memref_slice %run_scoped3A_10[%rem3A_421, %dma_start3A_434, %dma_start3A_435] : memref<2x128x128xf32, #tpu.memory_space<vmem>> -> memref<1x128x128xf32, #tpu.memory_space<vmem>>
        %dma_start3A_437 = tpu.memref_squeeze %dma_start3A_436 : memref<1x128x128xf32, #tpu.memory_space<vmem>> -> memref<128x128xf32, #tpu.memory_space<vmem>>
        tpu.enqueue_dma source(%dma_start3A_437 : memref<128x128xf32, #tpu.memory_space<vmem>>) target(%dma_start3A_433 : memref<128x128xf32, #tpu.memory_space<hbm>>) target_semaphore(%dma_start3A_431 : memref<!tpu.dma_semaphore, #tpu.memory_space<semaphore_mem>>)
        "tpu.trace_stop"() : () -> ()
      } else {
      }
      %and3A_249 = arith.constant true
      %and3A_250 = arith.andi %or3A_245, %and3A_249 : i1
      %add3A_251 = arith.constant 1 : i32
      %add3A_252 = arith.addi %scan3A_93, %add3A_251 : i32
      %select_n3A_253 = arith.select %and3A_250, %add3A_252, %scan3A_93 : i32
      %ne3A_254 = arith.cmpi ne, %add3A_104, %add3A_124 : i32
      %or3A_255 = arith.constant false
      %or3A_256 = arith.ori %or3A_255, %ne3A_254 : i1
      %or3A_257 = arith.constant false
      %or3A_258 = arith.ori %or3A_256, %or3A_257 : i1
      %or3A_259 = arith.ori %or3A_258, %eq3A_102 : i1
      %convert_element_type3A_260 = arith.extui %or3A_259 : i1 to i32
      %cond3A_261 = arith.constant 0 : i32
      %cond3A_262 = arith.cmpi ne, %convert_element_type3A_260, %cond3A_261 : i32
      scf.if %cond3A_262 {
        "tpu.trace_start"() <{level = 10 : i32, message = "ep_copy_out"}> : () -> ()
        %rem3A_420 = arith.constant 2 : i32
        %rem3A_421 = arith.remui %scan3A_95, %rem3A_420 : i32
        %mul3A_422 = arith.constant 128 : i32
        %mul3A_423 = arith.muli %mul3A_422, %add3A_104 : i32
        %dma_start3A_424 = arith.constant 0 : i32
        %dma_start3A_425 = arith.constant 0 : i32
        %dma_start3A_426 = tpu.memref_slice %run_scoped3A_12[%rem3A_421, %dma_start3A_424, %dma_start3A_425] : memref<2x128x128xf32, #tpu.memory_space<vmem>> -> memref<1x128x128xf32, #tpu.memory_space<vmem>>
        %dma_start3A_427 = tpu.memref_squeeze %dma_start3A_426 : memref<1x128x128xf32, #tpu.memory_space<vmem>> -> memref<128x128xf32, #tpu.memory_space<vmem>>
        %dma_start3A_428 = arith.constant 0 : i32
        %dma_start3A_429 = tpu.memref_slice %arg7[%mul3A_423, %dma_start3A_428] : memref<4096x128xf32, #tpu.memory_space<hbm>> -> memref<128x128xf32, #tpu.memory_space<hbm>>
        %dma_start3A_430 = tpu.memref_slice %run_scoped3A_13[%rem3A_421] : memref<2x!tpu.dma_semaphore, #tpu.memory_space<semaphore_mem>> -> memref<1x!tpu.dma_semaphore, #tpu.memory_space<semaphore_mem>>
        %dma_start3A_431 = tpu.memref_squeeze %dma_start3A_430 : memref<1x!tpu.dma_semaphore, #tpu.memory_space<semaphore_mem>> -> memref<!tpu.dma_semaphore, #tpu.memory_space<semaphore_mem>>
        %dma_start3A_432 = arith.constant 0 : i32
        %dma_start3A_433 = tpu.memref_slice %arg7[%mul3A_423, %dma_start3A_432] : memref<4096x128xf32, #tpu.memory_space<hbm>> -> memref<128x128xf32, #tpu.memory_space<hbm>>
        %dma_start3A_434 = arith.constant 0 : i32
        %dma_start3A_435 = arith.constant 0 : i32
        %dma_start3A_436 = tpu.memref_slice %run_scoped3A_12[%rem3A_421, %dma_start3A_434, %dma_start3A_435] : memref<2x128x128xf32, #tpu.memory_space<vmem>> -> memref<1x128x128xf32, #tpu.memory_space<vmem>>
        %dma_start3A_437 = tpu.memref_squeeze %dma_start3A_436 : memref<1x128x128xf32, #tpu.memory_space<vmem>> -> memref<128x128xf32, #tpu.memory_space<vmem>>
        tpu.enqueue_dma source(%dma_start3A_437 : memref<128x128xf32, #tpu.memory_space<vmem>>) target(%dma_start3A_433 : memref<128x128xf32, #tpu.memory_space<hbm>>) target_semaphore(%dma_start3A_431 : memref<!tpu.dma_semaphore, #tpu.memory_space<semaphore_mem>>)
        "tpu.trace_stop"() : () -> ()
      } else {
      }
      %and3A_263 = arith.constant true
      %and3A_264 = arith.andi %or3A_259, %and3A_263 : i1
      %add3A_265 = arith.constant 1 : i32
      %add3A_266 = arith.addi %scan3A_95, %add3A_265 : i32
      %select_n3A_267 = arith.select %and3A_264, %add3A_266, %scan3A_95 : i32
      %ne3A_268 = arith.cmpi ne, %add3A_104, %add3A_114 : i32
      %or3A_269 = arith.constant false
      %or3A_270 = arith.ori %or3A_269, %ne3A_268 : i1
      %not3A_271 = arith.constant true
      %not3A_272 = arith.xori %eq3A_100, %not3A_271 : i1
      %and3A_273 = arith.andi %or3A_270, %not3A_272 : i1
      %convert_element_type3A_274 = arith.extui %and3A_273 : i1 to i32
      %cond3A_275 = arith.constant 0 : i32
      %cond3A_276 = arith.cmpi ne, %convert_element_type3A_274, %cond3A_275 : i32
      scf.if %cond3A_276 {
      } else {
      }
      %and3A_277 = arith.constant false
      %and3A_278 = arith.andi %and3A_273, %and3A_277 : i1
      %ne3A_279 = arith.cmpi ne, %add3A_104, %add3A_114 : i32
      %or3A_280 = arith.constant false
      %or3A_281 = arith.ori %or3A_280, %ne3A_279 : i1
      %not3A_282 = arith.constant true
      %not3A_283 = arith.xori %eq3A_100, %not3A_282 : i1
      %and3A_284 = arith.andi %or3A_281, %not3A_283 : i1
      %convert_element_type3A_285 = arith.extui %and3A_284 : i1 to i32
      %cond3A_286 = arith.constant 0 : i32
      %cond3A_287 = arith.cmpi ne, %convert_element_type3A_285, %cond3A_286 : i32
      scf.if %cond3A_287 {
      } else {
      }
      %and3A_288 = arith.constant false
      %and3A_289 = arith.andi %and3A_284, %and3A_288 : i1
      %ne3A_290 = arith.cmpi ne, %add3A_104, %add3A_114 : i32
      %or3A_291 = arith.constant false
      %or3A_292 = arith.ori %or3A_291, %ne3A_290 : i1
      %or3A_293 = arith.constant false
      %or3A_294 = arith.ori %or3A_292, %or3A_293 : i1
      %not3A_295 = arith.constant true
      %not3A_296 = arith.xori %eq3A_100, %not3A_295 : i1
      %and3A_297 = arith.andi %or3A_294, %not3A_296 : i1
      %convert_element_type3A_298 = arith.extui %and3A_297 : i1 to i32
      %cond3A_299 = arith.constant 0 : i32
      %cond3A_300 = arith.cmpi ne, %convert_element_type3A_298, %cond3A_299 : i32
      scf.if %cond3A_300 {
        "tpu.trace_start"() <{level = 10 : i32, message = "ep_wait_out"}> : () -> ()
        %rem3A_420 = arith.constant 2 : i32
        %rem3A_421 = arith.remui %scan3A_94, %rem3A_420 : i32
        %mul3A_422 = arith.constant 128 : i32
        %mul3A_423 = arith.muli %mul3A_422, %add3A_114 : i32
        %dma_wait3A_424 = arith.constant 0 : i32
        %dma_wait3A_425 = arith.constant 0 : i32
        %dma_wait3A_426 = tpu.memref_slice %run_scoped3A_10[%rem3A_421, %dma_wait3A_424, %dma_wait3A_425] : memref<2x128x128xf32, #tpu.memory_space<vmem>> -> memref<1x128x128xf32, #tpu.memory_space<vmem>>
        %dma_wait3A_427 = tpu.memref_squeeze %dma_wait3A_426 : memref<1x128x128xf32, #tpu.memory_space<vmem>> -> memref<128x128xf32, #tpu.memory_space<vmem>>
        %dma_wait3A_428 = arith.constant 0 : i32
        %dma_wait3A_429 = tpu.memref_slice %arg6[%mul3A_423, %dma_wait3A_428] : memref<4096x128xf32, #tpu.memory_space<hbm>> -> memref<128x128xf32, #tpu.memory_space<hbm>>
        %dma_wait3A_430 = tpu.memref_slice %run_scoped3A_11[%rem3A_421] : memref<2x!tpu.dma_semaphore, #tpu.memory_space<semaphore_mem>> -> memref<1x!tpu.dma_semaphore, #tpu.memory_space<semaphore_mem>>
        %dma_wait3A_431 = tpu.memref_squeeze %dma_wait3A_430 : memref<1x!tpu.dma_semaphore, #tpu.memory_space<semaphore_mem>> -> memref<!tpu.dma_semaphore, #tpu.memory_space<semaphore_mem>>
        %dma_wait3A_432 = arith.constant 0 : i32
        %dma_wait3A_433 = tpu.memref_slice %arg6[%mul3A_423, %dma_wait3A_432] : memref<4096x128xf32, #tpu.memory_space<hbm>> -> memref<128x128xf32, #tpu.memory_space<hbm>>
        %dma_wait3A_434 = arith.constant 0 : i32
        %dma_wait3A_435 = arith.constant 0 : i32
        %dma_wait3A_436 = tpu.memref_slice %run_scoped3A_10[%rem3A_421, %dma_wait3A_434, %dma_wait3A_435] : memref<2x128x128xf32, #tpu.memory_space<vmem>> -> memref<1x128x128xf32, #tpu.memory_space<vmem>>
        %dma_wait3A_437 = tpu.memref_squeeze %dma_wait3A_436 : memref<1x128x128xf32, #tpu.memory_space<vmem>> -> memref<128x128xf32, #tpu.memory_space<vmem>>
        tpu.wait_dma2 semaphore(%dma_wait3A_431 : memref<!tpu.dma_semaphore, #tpu.memory_space<semaphore_mem>>) src(%dma_wait3A_437 : memref<128x128xf32, #tpu.memory_space<vmem>>) dst(%dma_wait3A_433 : memref<128x128xf32, #tpu.memory_space<hbm>>)
        "tpu.trace_stop"() : () -> ()
      } else {
      }
      %and3A_301 = arith.constant true
      %and3A_302 = arith.andi %and3A_297, %and3A_301 : i1
      %add3A_303 = arith.constant 1 : i32
      %add3A_304 = arith.addi %scan3A_94, %add3A_303 : i32
      %select_n3A_305 = arith.select %and3A_302, %add3A_304, %scan3A_94 : i32
      %ne3A_306 = arith.cmpi ne, %add3A_104, %add3A_114 : i32
      %or3A_307 = arith.constant false
      %or3A_308 = arith.ori %or3A_307, %ne3A_306 : i1
      %or3A_309 = arith.constant false
      %or3A_310 = arith.ori %or3A_308, %or3A_309 : i1
      %not3A_311 = arith.constant true
      %not3A_312 = arith.xori %eq3A_100, %not3A_311 : i1
      %and3A_313 = arith.andi %or3A_310, %not3A_312 : i1
      %convert_element_type3A_314 = arith.extui %and3A_313 : i1 to i32
      %cond3A_315 = arith.constant 0 : i32
      %cond3A_316 = arith.cmpi ne, %convert_element_type3A_314, %cond3A_315 : i32
      scf.if %cond3A_316 {
        "tpu.trace_start"() <{level = 10 : i32, message = "ep_wait_out"}> : () -> ()
        %rem3A_420 = arith.constant 2 : i32
        %rem3A_421 = arith.remui %scan3A_96, %rem3A_420 : i32
        %mul3A_422 = arith.constant 128 : i32
        %mul3A_423 = arith.muli %mul3A_422, %add3A_114 : i32
        %dma_wait3A_424 = arith.constant 0 : i32
        %dma_wait3A_425 = arith.constant 0 : i32
        %dma_wait3A_426 = tpu.memref_slice %run_scoped3A_12[%rem3A_421, %dma_wait3A_424, %dma_wait3A_425] : memref<2x128x128xf32, #tpu.memory_space<vmem>> -> memref<1x128x128xf32, #tpu.memory_space<vmem>>
        %dma_wait3A_427 = tpu.memref_squeeze %dma_wait3A_426 : memref<1x128x128xf32, #tpu.memory_space<vmem>> -> memref<128x128xf32, #tpu.memory_space<vmem>>
        %dma_wait3A_428 = arith.constant 0 : i32
        %dma_wait3A_429 = tpu.memref_slice %arg7[%mul3A_423, %dma_wait3A_428] : memref<4096x128xf32, #tpu.memory_space<hbm>> -> memref<128x128xf32, #tpu.memory_space<hbm>>
        %dma_wait3A_430 = tpu.memref_slice %run_scoped3A_13[%rem3A_421] : memref<2x!tpu.dma_semaphore, #tpu.memory_space<semaphore_mem>> -> memref<1x!tpu.dma_semaphore, #tpu.memory_space<semaphore_mem>>
        %dma_wait3A_431 = tpu.memref_squeeze %dma_wait3A_430 : memref<1x!tpu.dma_semaphore, #tpu.memory_space<semaphore_mem>> -> memref<!tpu.dma_semaphore, #tpu.memory_space<semaphore_mem>>
        %dma_wait3A_432 = arith.constant 0 : i32
        %dma_wait3A_433 = tpu.memref_slice %arg7[%mul3A_423, %dma_wait3A_432] : memref<4096x128xf32, #tpu.memory_space<hbm>> -> memref<128x128xf32, #tpu.memory_space<hbm>>
        %dma_wait3A_434 = arith.constant 0 : i32
        %dma_wait3A_435 = arith.constant 0 : i32
        %dma_wait3A_436 = tpu.memref_slice %run_scoped3A_12[%rem3A_421, %dma_wait3A_434, %dma_wait3A_435] : memref<2x128x128xf32, #tpu.memory_space<vmem>> -> memref<1x128x128xf32, #tpu.memory_space<vmem>>
        %dma_wait3A_437 = tpu.memref_squeeze %dma_wait3A_436 : memref<1x128x128xf32, #tpu.memory_space<vmem>> -> memref<128x128xf32, #tpu.memory_space<vmem>>
        tpu.wait_dma2 semaphore(%dma_wait3A_431 : memref<!tpu.dma_semaphore, #tpu.memory_space<semaphore_mem>>) src(%dma_wait3A_437 : memref<128x128xf32, #tpu.memory_space<vmem>>) dst(%dma_wait3A_433 : memref<128x128xf32, #tpu.memory_space<hbm>>)
        "tpu.trace_stop"() : () -> ()
      } else {
      }
      %and3A_317 = arith.constant true
      %and3A_318 = arith.andi %and3A_313, %and3A_317 : i1
      %add3A_319 = arith.constant 1 : i32
      %add3A_320 = arith.addi %scan3A_96, %add3A_319 : i32
      %select_n3A_321 = arith.select %and3A_318, %add3A_320, %scan3A_96 : i32
      %ne3A_322 = arith.cmpi ne, %add3A_104, %add3A_124 : i32
      %or3A_323 = arith.constant false
      %or3A_324 = arith.ori %or3A_323, %ne3A_322 : i1
      %or3A_325 = arith.ori %or3A_324, %eq3A_102 : i1
      %add3A_326 = arith.constant 1 : i32
      %add3A_327 = arith.addi %scan3A, %add3A_326 : i32
      %select_n3A_328 = arith.select %or3A_325, %add3A_327, %scan3A : i32
      %ne3A_329 = arith.cmpi ne, %add3A_104, %add3A_124 : i32
      %or3A_330 = arith.constant false
      %or3A_331 = arith.ori %or3A_330, %ne3A_329 : i1
      %or3A_332 = arith.ori %or3A_331, %eq3A_102 : i1
      %add3A_333 = arith.constant 1 : i32
      %add3A_334 = arith.addi %scan3A_92, %add3A_333 : i32
      %select_n3A_335 = arith.select %or3A_332, %add3A_334, %scan3A_92 : i32
      %select_n3A_336 = arith.constant true
      %select_n3A_337 = arith.constant 0 : i32
      %select_n3A_338 = arith.constant 1 : i32
      %select_n3A_339 = arith.select %select_n3A_336, %select_n3A_338, %select_n3A_337 : i32
      %eq3A_340 = arith.constant 1 : i32
      %eq3A_341 = arith.cmpi eq, %select_n3A_339, %eq3A_340 : i32
      %select_n3A_342 = arith.constant 0 : i32
      %select_n3A_343 = arith.select %eq3A_341, %select_n3A_342, %select_n3A_339 : i32
      %scan3A_344 = arith.constant 0 : i32
      %scan3A_345 = arith.constant 1 : i32
      %sub3A = arith.constant 1 : i32
      %sub3A_346 = arith.subi %scan3A_344, %sub3A : i32
      %select_n3A_347 = arith.constant true
      %select_n3A_348 = arith.select %select_n3A_347, %sub3A_346, %scan3A_344 : i32
      %eq3A_349 = arith.constant -1 : i32
      %eq3A_350 = arith.cmpi eq, %select_n3A_348, %eq3A_349 : i32
      %select_n3A_351 = arith.constant 0 : i32
      %select_n3A_352 = arith.select %eq3A_350, %select_n3A_351, %select_n3A_348 : i32
      %add3A_353 = arith.constant 0 : i32
      %add3A_354 = arith.addi %add3A_353, %mul3A_6 : i32
      %select_n3A_355 = arith.constant true
      %select_n3A_356 = arith.constant 0 : i32
      %select_n3A_357 = arith.constant -1 : i32
      %select_n3A_358 = arith.select %select_n3A_355, %select_n3A_357, %select_n3A_356 : i32
      %eq3A_359 = arith.constant -1 : i32
      %eq3A_360 = arith.cmpi eq, %select_n3A_358, %eq3A_359 : i32
      %select_n3A_361 = arith.constant 0 : i32
      %select_n3A_362 = arith.select %eq3A_360, %select_n3A_361, %select_n3A_358 : i32
      %add3A_363 = arith.constant 0 : i32
      %add3A_364 = arith.addi %add3A_363, %mul3A_6 : i32
      %select_n3A_365 = arith.constant true
      %select_n3A_366 = arith.constant 0 : i32
      %select_n3A_367 = arith.constant 1 : i32
      %select_n3A_368 = arith.select %select_n3A_365, %select_n3A_367, %select_n3A_366 : i32
      %eq3A_369 = arith.constant 1 : i32
      %eq3A_370 = arith.cmpi eq, %select_n3A_368, %eq3A_369 : i32
      %select_n3A_371 = arith.constant 0 : i32
      %select_n3A_372 = arith.select %eq3A_370, %select_n3A_371, %select_n3A_368 : i32
      %add3A_373 = arith.constant 0 : i32
      %add3A_374 = arith.addi %add3A_373, %mul3A_6 : i32
      %select_n3A_375 = arith.constant true
      %select_n3A_376 = arith.constant 0 : i32
      %select_n3A_377 = arith.constant 1 : i32
      %select_n3A_378 = arith.select %select_n3A_375, %select_n3A_377, %select_n3A_376 : i32
      %eq3A_379 = arith.constant 1 : i32
      %eq3A_380 = arith.cmpi eq, %select_n3A_378, %eq3A_379 : i32
      %select_n3A_381 = arith.constant 0 : i32
      %select_n3A_382 = arith.select %eq3A_380, %select_n3A_381, %select_n3A_378 : i32
      %add3A_383 = arith.constant 0 : i32
      %add3A_384 = arith.addi %add3A_383, %mul3A_6 : i32
      "tpu.trace_start"() <{level = 10 : i32, message = "ep_finalize"}> : () -> ()
      %rem3A_385 = arith.constant 2 : i32
      %rem3A_386 = arith.remui %select_n3A_305, %rem3A_385 : i32
      %mul3A_387 = arith.constant 128 : i32
      %mul3A_388 = arith.muli %mul3A_387, %add3A_354 : i32
      %dma_wait3A = arith.constant 0 : i32
      %dma_wait3A_389 = arith.constant 0 : i32
      %dma_wait3A_390 = tpu.memref_slice %run_scoped3A_10[%rem3A_386, %dma_wait3A, %dma_wait3A_389] : memref<2x128x128xf32, #tpu.memory_space<vmem>> -> memref<1x128x128xf32, #tpu.memory_space<vmem>>
      %dma_wait3A_391 = tpu.memref_squeeze %dma_wait3A_390 : memref<1x128x128xf32, #tpu.memory_space<vmem>> -> memref<128x128xf32, #tpu.memory_space<vmem>>
      %dma_wait3A_392 = arith.constant 0 : i32
      %dma_wait3A_393 = tpu.memref_slice %arg6[%mul3A_388, %dma_wait3A_392] : memref<4096x128xf32, #tpu.memory_space<hbm>> -> memref<128x128xf32, #tpu.memory_space<hbm>>
      %dma_wait3A_394 = tpu.memref_slice %run_scoped3A_11[%rem3A_386] : memref<2x!tpu.dma_semaphore, #tpu.memory_space<semaphore_mem>> -> memref<1x!tpu.dma_semaphore, #tpu.memory_space<semaphore_mem>>
      %dma_wait3A_395 = tpu.memref_squeeze %dma_wait3A_394 : memref<1x!tpu.dma_semaphore, #tpu.memory_space<semaphore_mem>> -> memref<!tpu.dma_semaphore, #tpu.memory_space<semaphore_mem>>
      %dma_wait3A_396 = arith.constant 0 : i32
      %dma_wait3A_397 = tpu.memref_slice %arg6[%mul3A_388, %dma_wait3A_396] : memref<4096x128xf32, #tpu.memory_space<hbm>> -> memref<128x128xf32, #tpu.memory_space<hbm>>
      %dma_wait3A_398 = arith.constant 0 : i32
      %dma_wait3A_399 = arith.constant 0 : i32
      %dma_wait3A_400 = tpu.memref_slice %run_scoped3A_10[%rem3A_386, %dma_wait3A_398, %dma_wait3A_399] : memref<2x128x128xf32, #tpu.memory_space<vmem>> -> memref<1x128x128xf32, #tpu.memory_space<vmem>>
      %dma_wait3A_401 = tpu.memref_squeeze %dma_wait3A_400 : memref<1x128x128xf32, #tpu.memory_space<vmem>> -> memref<128x128xf32, #tpu.memory_space<vmem>>
      tpu.wait_dma2 semaphore(%dma_wait3A_395 : memref<!tpu.dma_semaphore, #tpu.memory_space<semaphore_mem>>) src(%dma_wait3A_401 : memref<128x128xf32, #tpu.memory_space<vmem>>) dst(%dma_wait3A_397 : memref<128x128xf32, #tpu.memory_space<hbm>>)
      %rem3A_402 = arith.constant 2 : i32
      %rem3A_403 = arith.remui %select_n3A_321, %rem3A_402 : i32
      %mul3A_404 = arith.constant 128 : i32
      %mul3A_405 = arith.muli %mul3A_404, %add3A_354 : i32
      %dma_wait3A_406 = arith.constant 0 : i32
      %dma_wait3A_407 = arith.constant 0 : i32
      %dma_wait3A_408 = tpu.memref_slice %run_scoped3A_12[%rem3A_403, %dma_wait3A_406, %dma_wait3A_407] : memref<2x128x128xf32, #tpu.memory_space<vmem>> -> memref<1x128x128xf32, #tpu.memory_space<vmem>>
      %dma_wait3A_409 = tpu.memref_squeeze %dma_wait3A_408 : memref<1x128x128xf32, #tpu.memory_space<vmem>> -> memref<128x128xf32, #tpu.memory_space<vmem>>
      %dma_wait3A_410 = arith.constant 0 : i32
      %dma_wait3A_411 = tpu.memref_slice %arg7[%mul3A_405, %dma_wait3A_410] : memref<4096x128xf32, #tpu.memory_space<hbm>> -> memref<128x128xf32, #tpu.memory_space<hbm>>
      %dma_wait3A_412 = tpu.memref_slice %run_scoped3A_13[%rem3A_403] : memref<2x!tpu.dma_semaphore, #tpu.memory_space<semaphore_mem>> -> memref<1x!tpu.dma_semaphore, #tpu.memory_space<semaphore_mem>>
      %dma_wait3A_413 = tpu.memref_squeeze %dma_wait3A_412 : memref<1x!tpu.dma_semaphore, #tpu.memory_space<semaphore_mem>> -> memref<!tpu.dma_semaphore, #tpu.memory_space<semaphore_mem>>
      %dma_wait3A_414 = arith.constant 0 : i32
      %dma_wait3A_415 = tpu.memref_slice %arg7[%mul3A_405, %dma_wait3A_414] : memref<4096x128xf32, #tpu.memory_space<hbm>> -> memref<128x128xf32, #tpu.memory_space<hbm>>
      %dma_wait3A_416 = arith.constant 0 : i32
      %dma_wait3A_417 = arith.constant 0 : i32
      %dma_wait3A_418 = tpu.memref_slice %run_scoped3A_12[%rem3A_403, %dma_wait3A_416, %dma_wait3A_417] : memref<2x128x128xf32, #tpu.memory_space<vmem>> -> memref<1x128x128xf32, #tpu.memory_space<vmem>>
      %dma_wait3A_419 = tpu.memref_squeeze %dma_wait3A_418 : memref<1x128x128xf32, #tpu.memory_space<vmem>> -> memref<128x128xf32, #tpu.memory_space<vmem>>
      tpu.wait_dma2 semaphore(%dma_wait3A_413 : memref<!tpu.dma_semaphore, #tpu.memory_space<semaphore_mem>>) src(%dma_wait3A_419 : memref<128x128xf32, #tpu.memory_space<vmem>>) dst(%dma_wait3A_415 : memref<128x128xf32, #tpu.memory_space<hbm>>)
      "tpu.trace_stop"() : () -> ()
      tpu.yield
    }) : () -> ()
    return
  }
}

module attributes {stable_mosaic.version = 14 : i64} {
  func.func @_prop_body(%arg0: i32, %arg1: i32, %arg2: memref<2000x2000xbf16, #tpu.memory_space<vmem>>, %arg3: memref<1x16x2000xf32, #tpu.memory_space<vmem>>, %arg4: memref<16x2000xf32, #tpu.memory_space<vmem>>, %arg5: memref<1x16x2000xf32, #tpu.memory_space<vmem>>, %arg6: memref<16x2000xf32, #tpu.memory_space<vmem>>, %arg7: memref<5x16x2000xbf16, #tpu.memory_space<vmem>>, %arg8: memref<2000x32xbf16, #tpu.memory_space<vmem>>, %arg9: memref<32x2000xf32, #tpu.memory_space<vmem>>) attributes {dimension_semantics = [#tpu.dimension_semantics<arbitrary>, #tpu.dimension_semantics<arbitrary>], iteration_bounds = array<i64: 2, 5>, scalar_prefetch = 0 : i64, scratch_operands = 3 : i64, tpu.core_type = #tpu.core_type<tc>, window_params = [{transform_indices = @transform_0, window_bounds = array<i64: 2000, 2000>}, {transform_indices = @transform_1, window_bounds = array<i64: 1, 16, 2000>}, {pipeline_mode = #tpu.pipeline_mode<synchronous>, transform_indices = @transform_2, window_bounds = array<i64: 16, 2000>}, {transform_indices = @transform_3, window_bounds = array<i64: 1, 16, 2000>}, {pipeline_mode = #tpu.pipeline_mode<synchronous>, transform_indices = @transform_4, window_bounds = array<i64: 16, 2000>}]} {
    %get3A = arith.constant 0 : index
    %get3A_0 = arith.constant 0 : index
    %get3A_1 = arith.constant 0 : index
    %get3A_2 = vector.load %arg3[%get3A, %get3A_0, %get3A_1] : memref<1x16x2000xf32, #tpu.memory_space<vmem>>, vector<1x16x2000xf32>
    %get3A_3 = vector.shape_cast %get3A_2 : vector<1x16x2000xf32> to vector<16x2000xf32>
    %eq3A = arith.constant 0 : i32
    %eq3A_4 = arith.cmpi eq, %arg0, %eq3A : i32
    %eq3A_5 = arith.constant 0 : i32
    %eq3A_6 = arith.cmpi eq, %arg1, %eq3A_5 : i32
    %and3A = arith.andi %eq3A_4, %eq3A_6 : i1
    %convert_element_type3A = arith.extui %and3A : i1 to i32
    %cond3A = arith.constant 0 : i32
    %cond3A_7 = arith.cmpi ne, %convert_element_type3A, %cond3A : i32
    scf.if %cond3A_7 {
      %get3A_73 = arith.constant 0 : index
      %get3A_74 = arith.constant 0 : index
      %get3A_75 = vector.load %arg4[%get3A_73, %get3A_74] : memref<16x2000xf32, #tpu.memory_space<vmem>>, vector<16x2000xf32>
      %broadcast_in_dim3A_76 = arith.constant 0.000000e+00 : f32
      %broadcast_in_dim3A_77 = vector.broadcast %broadcast_in_dim3A_76 : f32 to vector<16x2000xf32>
      %concatenate3A_78 = tpu.concatenate %get3A_75, %broadcast_in_dim3A_77 in 0 : vector<16x2000xf32>, vector<16x2000xf32> -> vector<32x2000xf32>
      %transpose3A_79 = tpu.transpose %concatenate3A_78, [1, 0] : vector<32x2000xf32> -> vector<2000x32xf32>
      %convert_element_type3A_80 = arith.truncf %transpose3A_79 : vector<2000x32xf32> to vector<2000x32xbf16>
      %swap3A_81 = arith.constant 0 : index
      %swap3A_82 = arith.constant 0 : index
      %swap3A_83 = vector.load %arg8[%swap3A_81, %swap3A_82] : memref<2000x32xbf16, #tpu.memory_space<vmem>>, vector<2000x32xbf16>
      tpu.vector_store %arg8[%swap3A_81, %swap3A_82], %convert_element_type3A_80 {strides = array<i32>} : memref<2000x32xbf16, #tpu.memory_space<vmem>>, vector<2000x32xbf16>,
    } else {
    }
    %get3A_8 = arith.constant 0 : index
    %get3A_9 = arith.constant 0 : index
    %get3A_10 = vector.load %arg2[%get3A_8, %get3A_9] : memref<2000x2000xbf16, #tpu.memory_space<vmem>>, vector<2000x2000xbf16>
    %get3A_11 = arith.constant 0 : index
    %get3A_12 = arith.constant 0 : index
    %get3A_13 = vector.load %arg8[%get3A_11, %get3A_12] : memref<2000x32xbf16, #tpu.memory_space<vmem>>, vector<2000x32xbf16>
    %dot_general3A = arith.constant dense<0.000000e+00> : vector<2000x32xf32>
    %dot_general3A_14 = tpu.matmul %get3A_10, %get3A_13, %dot_general3A {dimension_numbers = #tpu.dot_dimension_numbers<[1], [0], [0], [1], [0, 0, 1, 1], [], []>, transpose_lhs_hint = false} : vector<2000x2000xbf16>, vector<2000x32xbf16>, vector<2000x32xf32> -> vector<2000x32xf32>
    %transpose3A = tpu.transpose %dot_general3A_14, [1, 0] : vector<2000x32xf32> -> vector<32x2000xf32>
    %slice3A = vector.extract_strided_slice %transpose3A {offsets = [0, 0], sizes = [16, 2000], strides = [1, 1]} : vector<32x2000xf32> to vector<16x2000xf32>
    %slice3A_15 = vector.extract_strided_slice %transpose3A {offsets = [16, 0], sizes = [16, 2000], strides = [1, 1]} : vector<32x2000xf32> to vector<16x2000xf32>
    %get3A_16 = arith.index_cast %arg1 : i32 to index
    %get3A_17 = arith.constant 0 : index
    %get3A_18 = arith.constant 0 : index
    %get3A_19 = vector.load %arg7[%get3A_16, %get3A_17, %get3A_18] : memref<5x16x2000xbf16, #tpu.memory_space<vmem>>, vector<1x16x2000xbf16>
    %get3A_20 = vector.shape_cast %get3A_19 : vector<1x16x2000xbf16> to vector<16x2000xbf16>
    %convert_element_type3A_21 = arith.extf %get3A_20 : vector<16x2000xbf16> to vector<16x2000xf32>
    %eq3A_22 = arith.constant 0 : i32
    %eq3A_23 = arith.cmpi eq, %arg0, %eq3A_22 : i32
    %add3A = arith.addf %get3A_3, %convert_element_type3A_21 : vector<16x2000xf32>
    %add3A_24 = arith.addf %add3A, %slice3A_15 : vector<16x2000xf32>
    %select_n3A = arith.select %eq3A_23, %get3A_3, %add3A_24 : vector<16x2000xf32>
    %eq3A_25 = arith.constant 0 : i32
    %eq3A_26 = arith.cmpi eq, %arg0, %eq3A_25 : i32
    %broadcast_in_dim3A = arith.constant 0.000000e+00 : f32
    %broadcast_in_dim3A_27 = vector.broadcast %broadcast_in_dim3A : f32 to vector<16x2000xf32>
    %select_n3A_28 = arith.select %eq3A_26, %slice3A, %broadcast_in_dim3A_27 : vector<16x2000xf32>
    %concatenate3A = tpu.concatenate %select_n3A, %select_n3A_28 in 0 : vector<16x2000xf32>, vector<16x2000xf32> -> vector<32x2000xf32>
    %convert_element_type3A_29 = arith.truncf %concatenate3A : vector<32x2000xf32> to vector<32x2000xbf16>
    %dot_general3A_30 = arith.constant dense<0.000000e+00> : vector<32x2000xf32>
    %dot_general3A_31 = tpu.matmul %convert_element_type3A_29, %get3A_10, %dot_general3A_30 {dimension_numbers = #tpu.dot_dimension_numbers<[1], [0], [0], [1], [0, 0, 1, 1], [], []>, transpose_lhs_hint = false} : vector<32x2000xbf16>, vector<2000x2000xbf16>, vector<32x2000xf32> -> vector<32x2000xf32>
    %eq3A_32 = arith.constant 0 : i32
    %eq3A_33 = arith.cmpi eq, %arg1, %eq3A_32 : i32
    %get3A_34 = arith.constant 0 : index
    %get3A_35 = arith.constant 0 : index
    %get3A_36 = vector.load %arg9[%get3A_34, %get3A_35] : memref<32x2000xf32, #tpu.memory_space<vmem>>, vector<32x2000xf32>
    %add3A_37 = arith.addf %get3A_36, %dot_general3A_31 : vector<32x2000xf32>
    %select_n3A_38 = arith.select %eq3A_33, %dot_general3A_31, %add3A_37 : vector<32x2000xf32>
    %swap3A = arith.constant 0 : index
    %swap3A_39 = arith.constant 0 : index
    %swap3A_40 = vector.load %arg9[%swap3A, %swap3A_39] : memref<32x2000xf32, #tpu.memory_space<vmem>>, vector<32x2000xf32>
    tpu.vector_store %arg9[%swap3A, %swap3A_39], %select_n3A_38 {strides = array<i32>} : memref<32x2000xf32, #tpu.memory_space<vmem>>, vector<32x2000xf32>,
    %convert_element_type3A_41 = arith.truncf %slice3A : vector<16x2000xf32> to vector<16x2000xbf16>
    %swap3A_42 = arith.index_cast %arg1 : i32 to index
    %swap3A_43 = arith.constant 0 : index
    %swap3A_44 = arith.constant 0 : index
    %swap3A_45 = vector.load %arg7[%swap3A_42, %swap3A_43, %swap3A_44] : memref<5x16x2000xbf16, #tpu.memory_space<vmem>>, vector<1x16x2000xbf16>
    %swap3A_46 = vector.shape_cast %swap3A_45 : vector<1x16x2000xbf16> to vector<16x2000xbf16>
    %swap3A_47 = vector.shape_cast %convert_element_type3A_41 : vector<16x2000xbf16> to vector<1x16x2000xbf16>
    tpu.vector_store %arg7[%swap3A_42, %swap3A_43, %swap3A_44], %swap3A_47 {strides = array<i32>} : memref<5x16x2000xbf16, #tpu.memory_space<vmem>>, vector<1x16x2000xbf16>,
    %add3A_48 = arith.addf %get3A_3, %slice3A : vector<16x2000xf32>
    %mul3A = arith.constant 2.500000e-01 : f32
    %mul3A_49 = vector.broadcast %mul3A : f32 to vector<16x2000xf32>
    %mul3A_50 = arith.mulf %add3A_48, %mul3A_49 : vector<16x2000xf32>
    %swap3A_51 = arith.constant 0 : index
    %swap3A_52 = arith.constant 0 : index
    %swap3A_53 = arith.constant 0 : index
    %swap3A_54 = vector.load %arg5[%swap3A_51, %swap3A_52, %swap3A_53] : memref<1x16x2000xf32, #tpu.memory_space<vmem>>, vector<1x16x2000xf32>
    %swap3A_55 = vector.shape_cast %swap3A_54 : vector<1x16x2000xf32> to vector<16x2000xf32>
    %swap3A_56 = vector.shape_cast %mul3A_50 : vector<16x2000xf32> to vector<1x16x2000xf32>
    tpu.vector_store %arg5[%swap3A_51, %swap3A_52, %swap3A_53], %swap3A_56 {strides = array<i32>} : memref<1x16x2000xf32, #tpu.memory_space<vmem>>, vector<1x16x2000xf32>,
    %eq3A_57 = arith.constant 4 : i32
    %eq3A_58 = arith.cmpi eq, %arg1, %eq3A_57 : i32
    %eq3A_59 = arith.constant 0 : i32
    %eq3A_60 = arith.cmpi eq, %arg0, %eq3A_59 : i32
    %and3A_61 = arith.andi %eq3A_58, %eq3A_60 : i1
    %convert_element_type3A_62 = arith.extui %and3A_61 : i1 to i32
    %cond3A_63 = arith.constant 0 : i32
    %cond3A_64 = arith.cmpi ne, %convert_element_type3A_62, %cond3A_63 : i32
    scf.if %cond3A_64 {
      %get3A_73 = arith.constant 0 : index
      %get3A_74 = arith.constant 0 : index
      %get3A_75 = vector.load %arg9[%get3A_73, %get3A_74] : memref<32x2000xf32, #tpu.memory_space<vmem>>, vector<16x2000xf32>
      %get3A_76 = arith.constant 0 : index
      %get3A_77 = arith.constant 0 : index
      %get3A_78 = vector.load %arg4[%get3A_76, %get3A_77] : memref<16x2000xf32, #tpu.memory_space<vmem>>, vector<16x2000xf32>
      %add3A_79 = arith.addf %get3A_78, %get3A_75 : vector<16x2000xf32>
      %get3A_80 = arith.constant 16 : index
      %get3A_81 = arith.constant 0 : index
      %get3A_82 = vector.load %arg9[%get3A_80, %get3A_81] : memref<32x2000xf32, #tpu.memory_space<vmem>>, vector<16x2000xf32>
      %add3A_83 = arith.addf %add3A_79, %get3A_82 : vector<16x2000xf32>
      %concatenate3A_84 = tpu.concatenate %add3A_83, %get3A_75 in 0 : vector<16x2000xf32>, vector<16x2000xf32> -> vector<32x2000xf32>
      %transpose3A_85 = tpu.transpose %concatenate3A_84, [1, 0] : vector<32x2000xf32> -> vector<2000x32xf32>
      %convert_element_type3A_86 = arith.truncf %transpose3A_85 : vector<2000x32xf32> to vector<2000x32xbf16>
      %swap3A_87 = arith.constant 0 : index
      %swap3A_88 = arith.constant 0 : index
      %swap3A_89 = vector.load %arg8[%swap3A_87, %swap3A_88] : memref<2000x32xbf16, #tpu.memory_space<vmem>>, vector<2000x32xbf16>
      tpu.vector_store %arg8[%swap3A_87, %swap3A_88], %convert_element_type3A_86 {strides = array<i32>} : memref<2000x32xbf16, #tpu.memory_space<vmem>>, vector<2000x32xbf16>,
    } else {
    }
    %eq3A_65 = arith.constant 4 : i32
    %eq3A_66 = arith.cmpi eq, %arg1, %eq3A_65 : i32
    %eq3A_67 = arith.constant 1 : i32
    %eq3A_68 = arith.cmpi eq, %arg0, %eq3A_67 : i32
    %and3A_69 = arith.andi %eq3A_66, %eq3A_68 : i1
    %convert_element_type3A_70 = arith.extui %and3A_69 : i1 to i32
    %cond3A_71 = arith.constant 0 : i32
    %cond3A_72 = arith.cmpi ne, %convert_element_type3A_70, %cond3A_71 : i32
    scf.if %cond3A_72 {
      %get3A_73 = arith.constant 0 : index
      %get3A_74 = arith.constant 0 : index
      %get3A_75 = vector.load %arg4[%get3A_73, %get3A_74] : memref<16x2000xf32, #tpu.memory_space<vmem>>, vector<16x2000xf32>
      %get3A_76 = arith.constant 0 : index
      %get3A_77 = arith.constant 0 : index
      %get3A_78 = vector.load %arg9[%get3A_76, %get3A_77] : memref<32x2000xf32, #tpu.memory_space<vmem>>, vector<16x2000xf32>
      %add3A_79 = arith.addf %get3A_75, %get3A_78 : vector<16x2000xf32>
      %mul3A_80 = arith.constant 2.500000e-01 : f32
      %mul3A_81 = vector.broadcast %mul3A_80 : f32 to vector<16x2000xf32>
      %mul3A_82 = arith.mulf %add3A_79, %mul3A_81 : vector<16x2000xf32>
      %swap3A_83 = arith.constant 0 : index
      %swap3A_84 = arith.constant 0 : index
      %swap3A_85 = vector.load %arg6[%swap3A_83, %swap3A_84] : memref<16x2000xf32, #tpu.memory_space<vmem>>, vector<16x2000xf32>
      tpu.vector_store %arg6[%swap3A_83, %swap3A_84], %mul3A_82 {strides = array<i32>} : memref<16x2000xf32, #tpu.memory_space<vmem>>, vector<16x2000xf32>,
    } else {
    }
    return
  }
  func.func @transform_0(%arg0: i32, %arg1: i32) -> (i32, i32) {
    %c0_i32 = arith.constant 0 : i32
    %c0_i32_0 = arith.constant 0 : i32
    return %arg1, %c0_i32 : i32, i32
  }
  func.func @transform_1(%arg0: i32, %arg1: i32) -> (i32, i32, i32) {
    %c0_i32 = arith.constant 0 : i32
    %c0_i32_0 = arith.constant 0 : i32
    %c0_i32_1 = arith.constant 0 : i32
    return %arg1, %c0_i32, %c0_i32_0 : i32, i32, i32
  }
  func.func @transform_2(%arg0: i32, %arg1: i32) -> (i32, i32) {
    %c0_i32 = arith.constant 0 : i32
    %c0_i32_0 = arith.constant 0 : i32
    %c0_i32_1 = arith.constant 0 : i32
    return %c0_i32, %c0_i32_0 : i32, i32
  }
  func.func @transform_3(%arg0: i32, %arg1: i32) -> (i32, i32, i32) {
    %c0_i32 = arith.constant 0 : i32
    %c0_i32_0 = arith.constant 0 : i32
    %c0_i32_1 = arith.constant 0 : i32
    return %arg1, %c0_i32, %c0_i32_0 : i32, i32, i32
  }
  func.func @transform_4(%arg0: i32, %arg1: i32) -> (i32, i32) {
    %c0_i32 = arith.constant 0 : i32
    %c0_i32_0 = arith.constant 0 : i32
    %c0_i32_1 = arith.constant 0 : i32
    return %c0_i32, %c0_i32_0 : i32, i32
  }
}

module attributes {stable_mosaic.version = 14 : i64} {
  func.func @_tables_body(%arg0: i32, %arg1: memref<1x16x2000xf32, #tpu.memory_space<vmem>>, %arg2: memref<16x2000xf32, #tpu.memory_space<vmem>>, %arg3: memref<2000x500xf32, #tpu.memory_space<vmem>>, %arg4: memref<500x16xf32, #tpu.memory_space<vmem>>, %arg5: memref<2000x128xf32, #tpu.memory_space<vmem>>, %arg6: memref<2000x128xf32, #tpu.memory_space<vmem>>) attributes {dimension_semantics = [#tpu.dimension_semantics<arbitrary>], iteration_bounds = array<i64: 5>, scalar_prefetch = 0 : i64, scratch_operands = 0 : i64, tpu.core_type = #tpu.core_type<tc>, window_params = [{transform_indices = @transform_0, window_bounds = array<i64: 1, 16, 2000>}, {pipeline_mode = #tpu.pipeline_mode<synchronous>, transform_indices = @transform_1, window_bounds = array<i64: 16, 2000>}, {pipeline_mode = #tpu.pipeline_mode<synchronous>, transform_indices = @transform_2, window_bounds = array<i64: 2000, 500>}, {pipeline_mode = #tpu.pipeline_mode<synchronous>, transform_indices = @transform_3, window_bounds = array<i64: 500, 16>}, {transform_indices = @transform_4, window_bounds = array<i64: 2000, 128>}, {pipeline_mode = #tpu.pipeline_mode<synchronous>, transform_indices = @transform_5, window_bounds = array<i64: 2000, 128>}]} {
    %get3A = arith.constant 0 : index
    %get3A_0 = arith.constant 0 : index
    %get3A_1 = arith.constant 0 : index
    %get3A_2 = vector.load %arg1[%get3A, %get3A_0, %get3A_1] : memref<1x16x2000xf32, #tpu.memory_space<vmem>>, vector<1x16x2000xf32>
    %get3A_3 = vector.shape_cast %get3A_2 : vector<1x16x2000xf32> to vector<16x2000xf32>
    %transpose3A = tpu.transpose %get3A_3, [1, 0] : vector<16x2000xf32> -> vector<2000x16xf32>
    %broadcast_in_dim3A = arith.constant 0.000000e+00 : f32
    %broadcast_in_dim3A_4 = vector.broadcast %broadcast_in_dim3A : f32 to vector<2000x112xf32>
    %concatenate3A = tpu.concatenate %transpose3A, %broadcast_in_dim3A_4 in 1 : vector<2000x16xf32>, vector<2000x112xf32> -> vector<2000x128xf32>
    %swap3A = arith.constant 0 : index
    %swap3A_5 = arith.constant 0 : index
    %swap3A_6 = vector.load %arg5[%swap3A, %swap3A_5] : memref<2000x128xf32, #tpu.memory_space<vmem>>, vector<2000x128xf32>
    tpu.vector_store %arg5[%swap3A, %swap3A_5], %concatenate3A {strides = array<i32>} : memref<2000x128xf32, #tpu.memory_space<vmem>>, vector<2000x128xf32>,
    %eq3A = arith.constant 0 : i32
    %eq3A_7 = arith.cmpi eq, %arg0, %eq3A : i32
    %convert_element_type3A = arith.extui %eq3A_7 : i1 to i32
    %cond3A = arith.constant 0 : i32
    %cond3A_8 = arith.cmpi ne, %convert_element_type3A, %cond3A : i32
    scf.if %cond3A_8 {
      %get3A_9 = arith.constant 0 : index
      %get3A_10 = arith.constant 0 : index
      %get3A_11 = vector.load %arg3[%get3A_9, %get3A_10] : memref<2000x500xf32, #tpu.memory_space<vmem>>, vector<2000x500xf32>
      %get3A_12 = arith.constant 0 : index
      %get3A_13 = arith.constant 0 : index
      %get3A_14 = vector.load %arg4[%get3A_12, %get3A_13] : memref<500x16xf32, #tpu.memory_space<vmem>>, vector<500x16xf32>
      %dot_general3A = arith.constant dense<0.000000e+00> : vector<2000x16xf32>
      %dot_general3A_15 = tpu.matmul %get3A_11, %get3A_14, %dot_general3A {dimension_numbers = #tpu.dot_dimension_numbers<[1], [0], [0], [1], [0, 0, 1, 1], [], []>, transpose_lhs_hint = false} : vector<2000x500xf32>, vector<500x16xf32>, vector<2000x16xf32> -> vector<2000x16xf32>
      %get3A_16 = arith.constant 0 : index
      %get3A_17 = arith.constant 0 : index
      %get3A_18 = vector.load %arg2[%get3A_16, %get3A_17] : memref<16x2000xf32, #tpu.memory_space<vmem>>, vector<16x2000xf32>
      %transpose3A_19 = tpu.transpose %get3A_18, [1, 0] : vector<16x2000xf32> -> vector<2000x16xf32>
      %add3A = arith.addf %transpose3A_19, %dot_general3A_15 : vector<2000x16xf32>
      %broadcast_in_dim3A_20 = arith.constant 0.000000e+00 : f32
      %broadcast_in_dim3A_21 = vector.broadcast %broadcast_in_dim3A_20 : f32 to vector<2000x112xf32>
      %concatenate3A_22 = tpu.concatenate %add3A, %broadcast_in_dim3A_21 in 1 : vector<2000x16xf32>, vector<2000x112xf32> -> vector<2000x128xf32>
      %swap3A_23 = arith.constant 0 : index
      %swap3A_24 = arith.constant 0 : index
      %swap3A_25 = vector.load %arg6[%swap3A_23, %swap3A_24] : memref<2000x128xf32, #tpu.memory_space<vmem>>, vector<2000x128xf32>
      tpu.vector_store %arg6[%swap3A_23, %swap3A_24], %concatenate3A_22 {strides = array<i32>} : memref<2000x128xf32, #tpu.memory_space<vmem>>, vector<2000x128xf32>,
    } else {
    }
    return
  }
  func.func @transform_0(%arg0: i32) -> (i32, i32, i32) {
    %c0_i32 = arith.constant 0 : i32
    %c0_i32_0 = arith.constant 0 : i32
    %c0_i32_1 = arith.constant 0 : i32
    return %arg0, %c0_i32, %c0_i32_0 : i32, i32, i32
  }
  func.func @transform_1(%arg0: i32) -> (i32, i32) {
    %c0_i32 = arith.constant 0 : i32
    %c0_i32_0 = arith.constant 0 : i32
    %c0_i32_1 = arith.constant 0 : i32
    return %c0_i32, %c0_i32_0 : i32, i32
  }
  func.func @transform_2(%arg0: i32) -> (i32, i32) {
    %c0_i32 = arith.constant 0 : i32
    %c0_i32_0 = arith.constant 0 : i32
    %c0_i32_1 = arith.constant 0 : i32
    return %c0_i32, %c0_i32_0 : i32, i32
  }
  func.func @transform_3(%arg0: i32) -> (i32, i32) {
    %c0_i32 = arith.constant 0 : i32
    %c0_i32_0 = arith.constant 0 : i32
    %c0_i32_1 = arith.constant 0 : i32
    return %c0_i32, %c0_i32_0 : i32, i32
  }
  func.func @transform_4(%arg0: i32) -> (i32, i32) {
    %c0_i32 = arith.constant 0 : i32
    %c0_i32_0 = arith.constant 0 : i32
    return %arg0, %c0_i32 : i32, i32
  }
  func.func @transform_5(%arg0: i32) -> (i32, i32) {
    %c0_i32 = arith.constant 0 : i32
    %c0_i32_0 = arith.constant 0 : i32
    %c0_i32_1 = arith.constant 0 : i32
    return %c0_i32, %c0_i32_0 : i32, i32
  }
}

module attributes {stable_mosaic.version = 14 : i64} {
  func.func @_pred_body(%arg0: memref<4096x128xf32, #tpu.memory_space<vmem>>, %arg1: memref<4096x128xf32, #tpu.memory_space<vmem>>, %arg2: memref<128x1xf32, #tpu.memory_space<vmem>>, %arg3: memref<128x1xf32, #tpu.memory_space<vmem>>, %arg4: memref<1x1xf32, #tpu.memory_space<vmem>>, %arg5: memref<4096x1xf32, #tpu.memory_space<vmem>>) attributes {dimension_semantics = [], scalar_prefetch = 0 : i64, scratch_operands = 0 : i64, tpu.core_type = #tpu.core_type<tc>} {
    %get3A = arith.constant 0 : index
    %get3A_0 = arith.constant 0 : index
    %get3A_1 = vector.load %arg0[%get3A, %get3A_0] : memref<4096x128xf32, #tpu.memory_space<vmem>>, vector<4096x128xf32>
    %get3A_2 = arith.constant 0 : index
    %get3A_3 = arith.constant 0 : index
    %get3A_4 = vector.load %arg2[%get3A_2, %get3A_3] : memref<128x1xf32, #tpu.memory_space<vmem>>, vector<128x1xf32>
    %dot_general3A = arith.constant dense<0.000000e+00> : vector<4096x1xf32>
    %dot_general3A_5 = tpu.matmul %get3A_1, %get3A_4, %dot_general3A {dimension_numbers = #tpu.dot_dimension_numbers<[1], [0], [0], [1], [0, 0, 1, 1], [], []>, transpose_lhs_hint = false} : vector<4096x128xf32>, vector<128x1xf32>, vector<4096x1xf32> -> vector<4096x1xf32>
    %get3A_6 = arith.constant 0 : index
    %get3A_7 = arith.constant 0 : index
    %get3A_8 = vector.load %arg1[%get3A_6, %get3A_7] : memref<4096x128xf32, #tpu.memory_space<vmem>>, vector<4096x128xf32>
    %get3A_9 = arith.constant 0 : index
    %get3A_10 = arith.constant 0 : index
    %get3A_11 = vector.load %arg3[%get3A_9, %get3A_10] : memref<128x1xf32, #tpu.memory_space<vmem>>, vector<128x1xf32>
    %dot_general3A_12 = arith.constant dense<0.000000e+00> : vector<4096x1xf32>
    %dot_general3A_13 = tpu.matmul %get3A_8, %get3A_11, %dot_general3A_12 {dimension_numbers = #tpu.dot_dimension_numbers<[1], [0], [0], [1], [0, 0, 1, 1], [], []>, transpose_lhs_hint = false} : vector<4096x128xf32>, vector<128x1xf32>, vector<4096x1xf32> -> vector<4096x1xf32>
    %add3A = arith.addf %dot_general3A_5, %dot_general3A_13 : vector<4096x1xf32>
    %get3A_14 = arith.constant 0 : index
    %get3A_15 = arith.constant 0 : index
    %get3A_16 = vector.load %arg4[%get3A_14, %get3A_15] : memref<1x1xf32, #tpu.memory_space<vmem>>, vector<1x1xf32>
    %get3A_17 = vector.extract %get3A_16[0, 0] : f32 from vector<1x1xf32>
    %add3A_18 = vector.broadcast %get3A_17 : f32 to vector<4096x1xf32>
    %add3A_19 = arith.addf %add3A, %add3A_18 : vector<4096x1xf32>
    %logistic3A = arith.negf %add3A_19 : vector<4096x1xf32>
    %logistic3A_20 = math.exp %logistic3A : vector<4096x1xf32>
    %logistic3A_21 = arith.constant 1.000000e+00 : f32
    %logistic3A_22 = vector.broadcast %logistic3A_21 : f32 to vector<4096x1xf32>
    %logistic3A_23 = arith.addf %logistic3A_22, %logistic3A_20 : vector<4096x1xf32>
    %logistic3A_24 = arith.divf %logistic3A_22, %logistic3A_23 : vector<4096x1xf32>
    %swap3A = arith.constant 0 : index
    %swap3A_25 = arith.constant 0 : index
    %swap3A_26 = vector.load %arg5[%swap3A, %swap3A_25] : memref<4096x1xf32, #tpu.memory_space<vmem>>, vector<4096x1xf32>
    tpu.vector_store %arg5[%swap3A, %swap3A_25], %logistic3A_24 {strides = array<i32>} : memref<4096x1xf32, #tpu.memory_space<vmem>>, vector<4096x1xf32>,
    return
  }
}

</mosaic_0001>

<sc_bundles>
// kernel: kernel.6.cloned.1.call-start
scs
__scs_entry_jumppad:
0x0: {  	(pc) =	sbr.rel $0x88, $3  }
0x1: {  	(tag) =	ssettag $0x0;
	lr =	simm.s32 $0x1  }
0x2: {  	[smem:$0x3F97] =	sst lr;
	_ =	strace $0xD0000000  }
0x3: {  	_ = 	snop  }
0x4: {  	_ = 	snop  }
0x5: {  	_ = 	snop  }
0x6: {  	_ = 	snop  }
0x7: {  	_ = 	snop  }
__scs_overlays_trampoline_lowered:
0x8: {  	[smem:$0x3FA6] =	sst s0  }
0x9: {  	[smem:$0x3FA7] =	sst s1  }
0xa: {  	[smem:$0x3FA8] =	sst s2  }
0xb: {  	[smem:$0x3FA9] =	sst s3  }
0xc: {  	[smem:$0x3FAA] =	sst s4  }
0xd: {  	[smem:$0x3FAB] =	sst s5  }
0xe: {  	[smem:$0x3FAC] =	sst s6  }
0xf: {  	[smem:$0x3FAD] =	sst s7  }
0x10: {  	[smem:$0x3FAE] =	sst s8  }
0x11: {  	[smem:$0x3FAF] =	sst s9;
	s0 =	simm.s32 @!p0 $0x0  }
0x12: {  	s1 =	sld [smem:$0x3F95];
	s0 =	simm.s32 @p0 $0x1  }
0x13: {  	[smem:$0x3FB0] =	sst s0;
	s0 =	simm.s32 @!p1 $0x0  }
0x14: {  	s2 =	sld [smem:$0x3F94];
	s0 =	simm.s32 @p1 $0x1  }
0x15: {  	[smem:$0x3FB1] =	sst s0;
	s0 =	simm.s32 @!p2 $0x0  }
0x16: {  	s3 =	sld [smem:$0x3FDB];
	s0 =	simm.s32 @p2 $0x1  }
0x17: {  	s4 =	simm.s32 $0x1BF5;
	[smem:$0x3FB3] =	sst s0  }
0x18: {  	s0 =	sld [smem:$0x3F96];
	_ =	swait.ge [sflag:s4], $0x0  }
0x19: {  	s7 =	sld [smem:$0x3F97]  }
0x1a: {  	s8 =	sadd.s32 $0xFFFFE003, lr  }
0x1b: {  	s9 =	sadd.s32 $0xFFFFFEF7, lr;
	s5 =	simm.s32 $0xFFFFFFFF;
	p2 =	slt.u32 s8, $0xFFFFF086  }
0x1c: {  	p1 =	slt.u32 s9, $0xF7A;
	s5 =	simm.s32 @!p2 $0x0  }
0x1d: {  	s5 =	simm.s32 @p1 $0x1;
	p0 =	seq.s32 s7, s2  }
0x1e: {  	s7 =	smul.u32 @!p0 $0xF7A, s2;
	p2 =	seq.s32 @!p0 s5, $0x0  }
0x1f: {  	s9 =	smul.u32 $0xF7A, s1;
	s8 =	simm.s32 @!p0 $0x1BF5;
	p2 =	por !p2, p0  }
0x20: {  	[sflag:s8] =	ssyncset.s32 @!p0 $0xFFFFF086;
	s6 =	sadd.s32 @!p0 s3, s7;
	s7 =	simm.s32 @!p0 $0x108  }
0x21: {  	s3 =	sadd.s32 s3, s9;
	s6 =	sadd.s32 @!p0 $0x88, s6;
	s7 =	simm.s32 @p2 $0x1082  }
0x22: {  	[simem:s7], [sflag:s8] =	dma.local @!p0 [hbm:s6], $0xF7A  }
0x23: {  	s9 =	sor.u32 $0xD0000000, s2;
	s6 =	simm.s32 $0x108;
	_ =	swait.ge @!p0 [sflag:s8], $0x0  }
0x24: {  	s3 =	sadd.s32 $0x88, s3;
	s6 =	simm.s32 @!p1 $0x1082;
	[sflag:s4] =	ssyncset.s32 $0xFFFFF086  }
0x25: {  	[simem:s6], [sflag:s4] =	dma.local [hbm:s3], $0xF7A  }
0x26: {  	[smem:$0x3F97] =	sst s1;
	(tag) =	ssettag s2;
	_ =	strace s9  }
0x27: {  	s1 =	sld [smem:$0x3FA7]  }
0x28: {  	s2 =	sld [smem:$0x3FA8]  }
0x29: {  	s4 =	sld [smem:$0x3FAA]  }
0x2a: {  	p0 =	seq.s32 s5, $0x0;
	s5 =	sld [smem:$0x3FAB]  }
0x2b: {  	s6 =	sld [smem:$0x3FAC]  }
0x2c: {  	s7 =	sld [smem:$0x3FAD]  }
0x2d: {  	s3 =	simm.s32 $0x108;
	s8 =	sld [smem:$0x3FAE]  }
0x2e: {  	s3 =	simm.s32 @!p0 $0x1082;
	s9 =	sld [smem:$0x3FAF]  }
0x2f: {  	lr =	sadd.s32 s0, s3;
	s0 =	sld [smem:$0x3FA6]  }
0x30: {  	s3 =	sld [smem:$0x3FA9]  }
0x31: {  	[smem:$0x3FB2] =	sst s10  }
0x32: {  	s10 =	sld [smem:$0x3FB0];
	_ =	sdelay $0x3  }
0x33: {  	p0 =	seq.s32 s10, $0x1;
	s10 =	sld [smem:$0x3FB2];
	_ =	sdelay $0x3  }
0x34: {  	[smem:$0x3FB2] =	sst s10  }
0x35: {  	s10 =	sld [smem:$0x3FB1];
	_ =	sdelay $0x3  }
0x36: {  	p1 =	seq.s32 s10, $0x1;
	s10 =	sld [smem:$0x3FB2];
	_ =	sdelay $0x3  }
0x37: {  	[smem:$0x3FB2] =	sst s10  }
0x38: {  	s10 =	sld [smem:$0x3FB3]  }
0x39: {  	_ = 	snop;
	(pc) =	sbr.ind lr, $3  }
0x3a: {  	_ = 	snop  }
0x3b: {  	_ = 	snop  }
0x3c: {  	p2 =	seq.s32 s10, $0x1;
	s10 =	sld [smem:$0x3FB2]  }
0x3d: {  	_ =	shalt  }
0x3e: {  	_ =	shalt  }
0x3f: {  	_ =	shalt  }
0x40: {  	_ =	shalt  }
0x41: {  	_ =	shalt  }
0x42: {  	_ =	shalt  }
0x43: {  	_ =	shalt  }
0x44: {  	_ =	shalt  }
0x45: {  	_ =	shalt  }
0x46: {  	_ =	shalt  }
0x47: {  	_ =	shalt  }
0x48: {  	_ =	shalt  }
0x49: {  	_ =	shalt  }
0x4a: {  	_ =	shalt  }
0x4b: {  	_ =	shalt  }
0x4c: {  	_ =	shalt  }
0x4d: {  	_ =	shalt  }
0x4e: {  	_ =	shalt  }
0x4f: {  	_ =	shalt  }
0x50: {  	_ =	shalt  }
0x51: {  	_ =	shalt  }
0x52: {  	_ =	shalt  }
0x53: {  	_ =	shalt  }
0x54: {  	_ =	shalt  }
0x55: {  	_ =	shalt  }
0x56: {  	_ =	shalt  }
0x57: {  	_ =	shalt  }
0x58: {  	_ =	shalt  }
0x59: {  	_ =	shalt  }
0x5a: {  	_ =	shalt  }
0x5b: {  	_ =	shalt  }
0x5c: {  	_ =	shalt  }
0x5d: {  	_ =	shalt  }
0x5e: {  	_ =	shalt  }
0x5f: {  	_ =	shalt  }
0x60: {  	_ =	shalt  }
0x61: {  	_ =	shalt  }
0x62: {  	_ =	shalt  }
0x63: {  	_ =	shalt  }
0x64: {  	_ =	shalt  }
0x65: {  	_ =	shalt  }
0x66: {  	_ =	shalt  }
0x67: {  	_ =	shalt  }
0x68: {  	_ =	shalt  }
0x69: {  	_ =	shalt  }
0x6a: {  	_ =	shalt  }
0x6b: {  	_ =	shalt  }
0x6c: {  	_ =	shalt  }
0x6d: {  	_ =	shalt  }
0x6e: {  	_ =	shalt  }
0x6f: {  	_ =	shalt  }
0x70: {  	_ =	shalt  }
0x71: {  	_ =	shalt  }
0x72: {  	_ =	shalt  }
0x73: {  	_ =	shalt  }
0x74: {  	_ =	shalt  }
0x75: {  	_ =	shalt  }
0x76: {  	_ =	shalt  }
0x77: {  	_ =	shalt  }
0x78: {  	_ =	shalt  }
0x79: {  	_ =	shalt  }
0x7a: {  	_ =	shalt  }
0x7b: {  	_ =	shalt  }
0x7c: {  	_ =	shalt  }
0x7d: {  	_ =	shalt  }
0x7e: {  	_ =	shalt  }
0x7f: {  	_ =	shalt  }
0x80: {  	_ =	shalt  }
0x81: {  	_ =	shalt  }
0x82: {  	_ =	shalt  }
0x83: {  	_ =	shalt  }
0x84: {  	_ =	shalt  }
0x85: {  	_ =	shalt  }
0x86: {  	_ =	shalt  }
0x87: {  	_ =	shalt  }
.Lfunc_end0:
.L_simem_size_0:
called_computation_lowered:
.L_overlay_start_0:
0x88: {  	s2 =	sld [smem:$0x3FD9]  }
0x89: {  	s3 =	sld [smem:$0x3FFE];
	_ =	sdelay $0x1  }
0x8a: {  	s1 =	srdreg.scid  }
0x8b: {  	s0 =	sand.u32 $0x1, s1  }
0x8c: {  	s17 =	sshll.u32 s0, $0xA;
	s2 =	sadd.s32 s3, s2  }
0x8d: {  	s2 =	sadd.s32 s2, s17  }
0x8e: {  	[smem:$0x3FBE] =	sst s2  }
0x8f: {  	_ = 	snop  }
0x90: {  	s2 =	sld [smem:$0x3FC9]  }
0x91: {  	s18 =	sld [smem:$0x3FC8];
	(tm) =	ssettm $0x1  }
0x92: {  	s4 =	sld [smem:$0x3FFB];
	_ =	sdelay $0x3  }
0x93: {  	_ =	strace s4  }
0x94: {  	s4 =	sld [smem:$0x3FFC];
	_ =	sdelay $0x3  }
0x95: {  	_ =	strace s4  }
0x96: {  	s4 =	sld [smem:$0x3FFD];
	_ =	sdelay $0x3  }
0x97: {  	_ =	strace s4  }
0x98: {  	_ =	strace $0x8FFFFFFF  }
0x99: {  	s19 =	sld [smem:$0x3FDB];
	_ =	sdelay $0x1  }
0x9a: {  	s5 =	simm.s32 $_scs_section_size  }
0x9b: {  	s6 =	simm.s32 $_size__tile_overlayer_lowered;
	s7 =	simm.s32 $_tile_overlayer_lowered  }
0x9c: {  	s22 =	simm.s32 $0x1BFF;
	s21 =	sshll.u32 s7, $0x1;
	s4 =	sadd.s32 s5, s19  }
0x9d: {  	s8 =	simm.s32 $0x0;
	s20 =	sshll.u32 s6, $0x1;
	s6 =	sadd.s32 s21, s4  }
0x9e: {  	[timem:s8], [sflag:s22] =	dma.local [hbm:s6], s20  }
0x9f: {  	_ =	swait.ge [sflag:s22], s20  }
0xa0: {  	s5 =	ssub.s32 $0x0, s20;
	[sflag:s22] =	ssyncset.done $0x0  }
0xa1: {  	[sflag:s22] =	ssyncadd.s32 s5;
	_ =	sdelay $0x1  }
0xa2: {  	s23 =	simm.s32 $0x1B8B  }
0xa3: {  	_ =	swait.ge [sflag:s23], $0x1  }
0xa4: {  	[sflag:s23] =	ssyncset.done $0x0  }
0xa5: {  	s25 =	simm.s32 $0x1B8E;
	s24 =	sld [smem:$0x3FFE];
	[sflag:s23] =	ssyncadd.s32 $0xFFFFFFFF  }
0xa6: {  	s26 =	simm.s32 $execute0_lowered;
	[smem:$0x3FD2] =	sst s25  }
0xa7: {  	s6 =	sshll.u32 s26, $0x1;
	_ =	strace $0x80000046;
	[dreg:$0x1] =	wrdreg $0xFFFFFFFF  }
0xa8: {  	s28 =	simm.s32 $_size_execute0_lowered;
	s4 =	sadd.s32 s4, s6;
	[dreg:$0x0] =	wrdreg $0x0  }
0xa9: {  	s6 =	sshll.u32 s28, $0x1;
	[dreg:$0x2] =	wrdreg s4  }
0xaa: {  	[dreg:$0x3] =	wrdreg s6  }
0xab: {  	[dreg:$0x4] =	wrdreg $0xC0  }
0xac: {  	_ =	task [dreg:s8], $0x5FFFF  }
0xad: {  	[dreg:$0x1] =	wrdreg $0xFFFFFFFF  }
0xae: {  	[dreg:$0x0] =	wrdreg $0x60  }
0xaf: {  	[dreg:$0x2] =	wrdreg s24  }
0xb0: {  	[dreg:$0x3] =	wrdreg s2  }
0xb1: {  	[dreg:$0x4] =	wrdreg s18  }
0xb2: {  	[dreg:$0x5] =	wrdreg $0x9  }
0xb3: {  	_ =	task.clear_ibuf [dreg:s8], $0x6FFFF;
	_ =	strace $0x90000046  }
0xb4: {  	s29 =	simm.s32 $0x9;
	_ =	strace $0x8000004F  }
0xb5: {  	_ =	swait.ge [sflag:s29], $0x1  }
0xb6: {  	[sflag:s29] =	ssyncadd.s32 $0xFFFFFFFF  }
0xb7: {  	_ =	strace $0x9000004F  }
0xb8: {  	_ =	sfence  }
0xb9: {  	s30 =	sld [smem:$0x0];
	_ =	sdelay $0x2  }
0xba: {  	s31 =	sshll.u32 s1, $0xD;
	s1 =	sshrl.u32 s1, $0x2  }
0xbb: {  	s3 =	sand.u32 $0x4000, s31;
	s1 =	sadd.s32 s1, s30  }
0xbc: {  	s0 =	sor.u32 s3, s0;
	s1 =	sshll.u32 s1, $0x11  }
0xbd: {  	s0 =	sor.u32 s1, s0  }
0xbe: {  	s0 =	sadd.s32 $0x8F2B, s0  }
0xbf: {  	[sflag:s0] =	ssyncadd.remote.s32 $0x1  }
0xc0: {  	_ =	sfence.sel $0xFFFF  }
0xc1: {  	[dreg:$0x0] =	wrdreg $0xFFFFFFFF;
	(pc) =	sbr.abs _section_cstart, $3  }
0xc2: {  	[dreg:$0x1] =	wrdreg $0xFFFFFFFF  }
0xc3: {  	_ =	task.clear_ibuf [dreg:s8], $0x2FFFF;
	_ =	strace $0x9FFFFFFF  }
0xc4: {  	(tm) =	ssettm $0x7FFFFFFF  }
0xc5: {  	_ =	shalt  }
tec
execute0_lowered:
.L_overlay_start_1:
0x0: {  	(tag) =	ssettag $0x1  }
0x1: {  	s14 =	rddreg [dreg:$0x0]  }
0x2: {  	s3 =	rddreg [dreg:$0x1];
	s2 =	srdreg.scid  }
0x3: {  	s4 =	rddreg [dreg:$0x2];
	s1 =	stileid.u32;
	s17 =	sand.u32 $0x1, s2  }
0x4: {  	s2 =	simm.s32 $0x0;
	s6 =	sshll.u32 s1, $0x7;
	s5 =	sshll.u32 s17, $0xB  }
0x5: {  	[smem:$0x7FF] =	sst s2;
	s15 =	sor.u32 s6, s5  }
0x6: {  	s0 =	rddreg [dreg:$0x3];
	_ =	strace $0x80000047;
	s5 =	sshrl.u32 s15, $0x3  }
0x7: {  	_ =	strace $0x80000048;
	s3 =	sadd.s32 s3, s5  }
0x8: {  	[tilespmem:s2], [sflag:$0x1] =	stream.linear.gather [hbm4b:s3+s2], $0x80, $0x200038;
	[tilespmem:$0x10200] =	vst v63  }
0x9: {  	s4 =	sadd.s32 s4, s5;
	s5 =	simm.s32 $0x100  }
0xa: {  	[tilespmem:s5], [sflag:$0x3] =	stream.linear.gather [hbm4b:s4+s2], $0x80, $0x200038;
	[tilespmem:$0x10200] =	vst v63  }
0xb: {  	_ =	strace $0x90000048  }
0xc: {  	s6 =	simm.s32 $0x1;
	_ =	strace $0x80000049  }
0xd: {  	_ =	swait.ge [sflag:s6], $0x80  }
0xe: {  	[sflag:s6] =	ssyncset.done $0x0  }
0xf: {  	[sflag:s6] =	ssyncadd.s32 $0xFFFFFF80  }
0x10: {  	_ =	strace $0x90000049  }
0x11: {  	s7 =	simm.s32 $0x3;
	_ =	strace $0x8000004A  }
0x12: {  	_ =	swait.ge [sflag:s7], $0x80  }
0x13: {  	[sflag:s7] =	ssyncset.done $0x0  }
0x14: {  	[sflag:s7] =	ssyncadd.s32 $0xFFFFFF80  }
0x15: {  	s9 =	simm.s32 $0x80;
	s10 =	simm.s32 $0x200;
	_ =	strace $0x9000004A  }
0x16: {  	s11 =	simm.s32 $0x9;
	s8 =	sadd.s32 $0x1C00, s14;
	_ =	strace $0x8000004B  }
0x17: {  	[tilespmem:s10], [sflag:$0x9] =	stream.indirect.gather [hbm4b:s8+s9], $0x80, s2, s9, $0x2000b8;
	[tilespmem:$0x10200] =	vst v63  }
0x18: {  	_ =	swait.ge [sflag:s11], $0x4000  }
0x19: {  	[sflag:s11] =	ssyncset.done $0x0  }
0x1a: {  	s13 =	simm.s32 $0x8200;
	s12 =	sadd.s32 $0x28E00, s14;
	[sflag:s11] =	ssyncadd.s32 $0xFFFFC000  }
0x1b: {  	[tilespmem:s13], [sflag:$0x9] =	stream.indirect.gather [hbm4b:s12+s9], $0x80, s5, s9, $0x2000b8;
	[tilespmem:$0x10200] =	vst v63  }
0x1c: {  	_ =	swait.ge [sflag:s11], $0x4000  }
0x1d: {  	[sflag:s11] =	ssyncset.done $0x0  }
0x1e: {  	s15 =	sshll.u32 s15, $0x4;
	[sflag:s11] =	ssyncadd.s32 $0xFFFFC000  }
0x1f: {  	s15 =	sadd.s32 s15, s14;
	_ =	strace $0x9000004B  }
0x20: {  	s14 =	sadd.s32 $0x30C00, s15;
	_ =	strace $0x8000004C  }
0x21: {  	[hbm4b:s14+s2] =	stream.linear.scatter [tilespmem:s10], [sflag:$0x5], $0x4000, $0x200038;
	[tilespmem:$0x10200] =	vst v63  }
0x22: {  	s17 =	ssub.s32 $0x2, s17;
	_ =	strace $0x9000004C  }
0x23: {  	s18 =	sshrl.u32 s17, $0x1;
	s15 =	sadd.s32 $0x40C00, s15;
	_ =	strace $0x8000004D  }
0x24: {  	[hbm4b:s15+s2] =	stream.linear.scatter [tilespmem:s13], [sflag:$0x7], $0x4000, $0x200038;
	[tilespmem:$0x10200] =	vst v63  }
0x25: {  	s18 =	ssub.s32 s17, s18;
	_ =	strace $0x9000004D  }
0x26: {  	s16 =	simm.s32 $0x5;
	s18 =	smax.u32 s18, $0x1;
	_ =	strace $0x8000004E  }
0x27: {  	p0 =	sne.s32 s18, $0x1;
	_ =	swait.ge [sflag:s16], $0x4000  }
.Ltmp0:
0x28: {  	[sflag:s16] =	ssyncset.done $0x0;
	(pc) =	sbr.rel @!p0 .LBB2_2-.Ltmp0, $4  }
0x29: {  	s17 =	simm.s32 $0x7;
	[sflag:s16] =	ssyncadd.s32 $0xFFFFC000  }
0x2a: {  	_ =	swait.ge [sflag:s17], $0x4000  }
0x2b: {  	[sflag:s17] =	ssyncset.done $0x0  }
0x2c: {  	s18 =	sadd.s32 $0xFFFFFFFF, s18;
	[sflag:s17] =	ssyncadd.s32 $0xFFFFC000  }
.LBB2_1:
0x2d: {  	p0 =	sne.s32 s18, $0x1;
	s18 =	sadd.s32 $0xFFFFFFFF, s18;
	_ =	strace $0x9000004E  }
0x2e: {  	_ =	strace $0x80000048  }
0x2f: {  	[tilespmem:s2], [sflag:$0x1] =	stream.linear.gather [hbm4b:s3+s2], $0x80, $0x200038;
	[tilespmem:$0x10200] =	vst v63  }
0x30: {  	_ = 	snop  }
0x31: {  	[tilespmem:s5], [sflag:$0x3] =	stream.linear.gather [hbm4b:s4+s2], $0x80, $0x200038;
	[tilespmem:$0x10200] =	vst v63  }
0x32: {  	_ =	strace $0x90000048  }
0x33: {  	_ =	strace $0x80000049  }
0x34: {  	_ =	swait.ge [sflag:s6], $0x80  }
0x35: {  	[sflag:s6] =	ssyncset.done $0x0  }
0x36: {  	[sflag:s6] =	ssyncadd.s32 $0xFFFFFF80  }
0x37: {  	_ =	strace $0x90000049  }
0x38: {  	_ =	strace $0x8000004A  }
0x39: {  	_ =	swait.ge [sflag:s7], $0x80  }
0x3a: {  	[sflag:s7] =	ssyncset.done $0x0  }
0x3b: {  	[sflag:s7] =	ssyncadd.s32 $0xFFFFFF80  }
0x3c: {  	_ =	strace $0x9000004A  }
0x3d: {  	_ =	strace $0x8000004B  }
0x3e: {  	[tilespmem:s10], [sflag:$0x9] =	stream.indirect.gather [hbm4b:s8+s9], $0x80, s2, s9, $0x2000b8;
	[tilespmem:$0x10200] =	vst v63  }
0x3f: {  	_ =	swait.ge [sflag:s11], $0x4000  }
0x40: {  	[sflag:s11] =	ssyncset.done $0x0  }
0x41: {  	[sflag:s11] =	ssyncadd.s32 $0xFFFFC000  }
0x42: {  	[tilespmem:s13], [sflag:$0x9] =	stream.indirect.gather [hbm4b:s12+s9], $0x80, s5, s9, $0x2000b8;
	[tilespmem:$0x10200] =	vst v63  }
0x43: {  	_ =	swait.ge [sflag:s11], $0x4000  }
0x44: {  	[sflag:s11] =	ssyncset.done $0x0  }
0x45: {  	[sflag:s11] =	ssyncadd.s32 $0xFFFFC000  }
0x46: {  	_ =	strace $0x9000004B  }
0x47: {  	_ =	strace $0x8000004C  }
0x48: {  	[hbm4b:s14+s2] =	stream.linear.scatter [tilespmem:s10], [sflag:$0x5], $0x4000, $0x200038;
	[tilespmem:$0x10200] =	vst v63  }
0x49: {  	_ =	strace $0x9000004C  }
0x4a: {  	_ =	strace $0x8000004D  }
0x4b: {  	[hbm4b:s15+s2] =	stream.linear.scatter [tilespmem:s13], [sflag:$0x7], $0x4000, $0x200038;
	[tilespmem:$0x10200] =	vst v63  }
0x4c: {  	_ =	strace $0x9000004D  }
0x4d: {  	_ =	strace $0x8000004E  }
0x4e: {  	_ =	swait.ge [sflag:s16], $0x4000  }
.Ltmp1:
0x4f: {  	[sflag:s16] =	ssyncset.done $0x0;
	(pc) =	sbr.rel @p0 .LBB2_1-.Ltmp1, $4  }
0x50: {  	[sflag:s16] =	ssyncadd.s32 $0xFFFFC000  }
0x51: {  	_ =	swait.ge [sflag:s17], $0x4000  }
0x52: {  	[sflag:s17] =	ssyncset.done $0x0  }
0x53: {  	[sflag:s17] =	ssyncadd.s32 $0xFFFFC000  }
.LBB2_2:
0x54: {  	_ =	strace $0x9000004E  }
0x55: {  	_ =	sfence.sel $0x180000  }
0x56: {  	[bflag:$0x0] =	sbarrier.arrive $0xFFFF  }
0x57: {  	p0 =	sne.s32 s1, $0x0;
	_ =	strace $0x90000047  }
0x58: {  	s0 =	sadd.s32 @!p0 $0x100000, s0;
	[bflag:$0x2] =	sbarrier.arrive $0xFFFF  }
0x59: {  	[sflag:s0] =	ssyncadd.tile.s32 @!p0 $0x1;
	_ =	shalt  }
.Lfunc_end2:
_tile_overlayer_lowered:
.L_overlay_start_2:
0x5a: {  	(tag) =	ssettag $0x2  }
0x5b: {  	s0 =	rddreg [dreg:$0x0];
	s2 =	stileid.u32  }
0x5c: {  	s1 =	rddreg [dreg:$0x1];
	p0 =	sne.s32 s2, $0x0  }
0x5d: {  	s3 =	rddreg [dreg:$0x2];
	[bflag:$0x3] =	sbarrier.arrive $0xFFFF;
	s2 =	simm.s32 @!p0 $0x1C01  }
0x5e: {  	[timem:s3], [sflag:s2] =	dma.local @!p0 [hbm:s0], s1  }
0x5f: {  	s0 =	simm.s32 @!p0 $0x1  }
0x60: {  	_ =	swait.ge @!p0 [sflag:s0], s1  }
0x61: {  	s1 =	ssub.s32 @!p0 $0x0, s1;
	[sflag:s0] =	ssyncset.done @!p0 $0x0  }
0x62: {  	[sflag:s0] =	ssyncadd.s32 @!p0 s1  }
0x63: {  	[bflag:$0x3] =	sbarrier.arrive $0xFFFF  }
0x64: {  	_ =	shalt  }

</sc_bundles>
